<compile_context>
chip_gen: v7x
topology: tpu7x:2x2x1
jax: 0.10.2.dev20260603
libtpu: 0.0.44.dev20260713+nightly
codegen_flags: <defaults>
</compile_context>

<pallas_src>
import functools

import jax
import jax.numpy as jnp
from jax import lax
from jax.experimental import pallas as pl
from jax.experimental.pallas import tpu as pltpu
from jax.experimental.pallas import tpu_sc as plsc

N = 10000
D = 256
H = 128
E = 160000
NT = 16
NC = 2
EB = 128
EPT = E // NT
NB = -(-EPT // EB)
PADT = NB * EB - EPT
ZR = 632
N_ACC = NT * ZR
RPT = 624
TAIL = N - NT * RPT
NBLK = -(-N // 128)

_mesh = plsc.VectorSubcoreMesh(core_axis_name="c", subcore_axis_name="s")


NB0 = (NB + 1) // 2
NB1 = NB - NB0


@functools.partial(
    pl.kernel,
    out_type=jax.ShapeDtypeStruct((NC * N, H), jnp.float32),
    mesh=_mesh,
    scratch_types=[
        pltpu.VMEM((NB, EB), jnp.int32),
        pltpu.VMEM((EB, H), jnp.float32),
        pltpu.VMEM_SHARED((N_ACC, H), jnp.float32),
    ],
)
def _deg_sc(dst_hbm, ones_hbm, zeros_hbm, deg_out, dst_v, ones_v, dacc):
    c = lax.axis_index("c")
    s = lax.axis_index("s")
    pltpu.sync_copy(zeros_hbm, dacc.at[pl.ds(s * ZR, ZR)])
    pltpu.sync_copy(dst_hbm.at[s], dst_v)
    pltpu.sync_copy(ones_hbm, ones_v)
    plsc.subcore_barrier()

    def body(b, carry):
        pltpu.sync_copy(ones_v, dacc.at[dst_v.at[b]], add=True)
        return carry
    lax.fori_loop(c * NB0, NB0 + c * NB1, body, 0)

    plsc.subcore_barrier()
    pltpu.sync_copy(dacc.at[pl.ds(s * RPT, RPT)],
                    deg_out.at[pl.ds(c * N + s * RPT, RPT)])

    @pl.when(s == 0)
    def _tail():
        pltpu.sync_copy(dacc.at[pl.ds(NT * RPT, TAIL)],
                        deg_out.at[pl.ds(c * N + NT * RPT, TAIL)])


@functools.partial(
    pl.kernel,
    out_type=jax.ShapeDtypeStruct((NC * N, H), jnp.float32),
    mesh=_mesh,
    scratch_types=[
        pltpu.VMEM((NB, EB), jnp.int32),
        pltpu.VMEM((NB, EB), jnp.int32),
        pltpu.VMEM((EB, H), jnp.float32),
        pltpu.VMEM_SHARED((N_ACC, H), jnp.float32),
        pltpu.SemaphoreType.DMA,
    ],
)
def _agg_sc(g_hbm, src_hbm, dst_hbm, zeros_hbm, s_out,
            src_v, dst_v, rows_v, acc, sem):
    c = lax.axis_index("c")
    s = lax.axis_index("s")
    w = c * NT + s
    pltpu.sync_copy(zeros_hbm, acc.at[pl.ds(s * ZR, ZR)])
    pltpu.sync_copy(src_hbm.at[w], src_v)
    pltpu.sync_copy(dst_hbm.at[s], dst_v)
    plsc.subcore_barrier()

    def body(b, carry):
        pltpu.async_copy(g_hbm.at[src_v.at[b]], rows_v, sem).wait()
        pltpu.sync_copy(rows_v, acc.at[dst_v.at[b]], add=True)
        return carry
    lax.fori_loop(0, NB, body, 0)

    plsc.subcore_barrier()
    pltpu.sync_copy(acc.at[pl.ds(s * RPT, RPT)],
                    s_out.at[pl.ds(c * N + s * RPT, RPT)])

    @pl.when(s == 0)
    def _out_tail():
        pltpu.sync_copy(acc.at[pl.ds(NT * RPT, TAIL)],
                        s_out.at[pl.ds(c * N + NT * RPT, TAIL)])


def _dinv_of(deg_ref):
    return lax.rsqrt(deg_ref[0][:, 0:1] + deg_ref[1][:, 0:1] + 1.0)


def _mm_raw_body(x_ref, w_ref, o_ref):
    h = jnp.dot(x_ref[...], w_ref[...], preferred_element_type=jnp.float32)
    o_ref[...] = h[None]


def _mm_raw(x, w):
    return pl.pallas_call(
        _mm_raw_body,
        grid=(NBLK, NC),
        in_specs=[
            pl.BlockSpec((128, D), lambda i, j: (i, 0)),
            pl.BlockSpec((D, H), lambda i, j: (0, j)),
        ],
        out_specs=pl.BlockSpec((1, 128, H), lambda i, j: (j, i, 0)),
        out_shape=jax.ShapeDtypeStruct((NC, N, H), jnp.float32),
    )(x, w)


def _scale_body(m_ref, deg_ref, o_ref):
    o_ref[...] = (m_ref[0] * _dinv_of(deg_ref))[None]


def _scale(m, deg2):
    return pl.pallas_call(
        _scale_body,
        grid=(NBLK, NC),
        in_specs=[
            pl.BlockSpec((1, 128, H), lambda i, j: (j, i, 0)),
            pl.BlockSpec((NC, 128, H), lambda i, j: (0, i, 0)),
        ],
        out_specs=pl.BlockSpec((1, 128, H), lambda i, j: (j, i, 0)),
        out_shape=jax.ShapeDtypeStruct((NC, N, H), jnp.float32),
    )(m, deg2)


def _mid_body(s_ref, g_ref, deg_ref, b_ref, w_ref, o_ref):
    dinv = _dinv_of(deg_ref)
    t = jnp.concatenate([s_ref[0] + g_ref[0], s_ref[1] + g_ref[1]], axis=1)
    h = jnp.maximum(dinv * t + b_ref[...], 0.0)
    o = jnp.dot(h, w_ref[...], preferred_element_type=jnp.float32)
    o_ref[...] = (o * dinv)[None]


def _mid(s1, g1, deg2, b, w):
    return pl.pallas_call(
        _mid_body,
        grid=(NBLK, NC),
        in_specs=[
            pl.BlockSpec((NC, 128, H), lambda i, j: (0, i, 0)),
            pl.BlockSpec((NC, 128, H), lambda i, j: (0, i, 0)),
            pl.BlockSpec((NC, 128, H), lambda i, j: (0, i, 0)),
            pl.BlockSpec((1, D), lambda i, j: (0, 0)),
            pl.BlockSpec((D, H), lambda i, j: (0, j)),
        ],
        out_specs=pl.BlockSpec((1, 128, H), lambda i, j: (j, i, 0)),
        out_shape=jax.ShapeDtypeStruct((NC, N, H), jnp.float32),
    )(s1, g1, deg2, b, w)


def _out_body(s_ref, g_ref, deg_ref, b_ref, o_ref):
    dinv = _dinv_of(deg_ref)
    t = jnp.concatenate([s_ref[0] + g_ref[0], s_ref[1] + g_ref[1]], axis=1)
    o_ref[...] = dinv * t + b_ref[...]


def _final(s2, g2, deg2, b):
    return pl.pallas_call(
        _out_body,
        grid=(NBLK,),
        in_specs=[
            pl.BlockSpec((NC, 128, H), lambda i: (0, i, 0)),
            pl.BlockSpec((NC, 128, H), lambda i: (0, i, 0)),
            pl.BlockSpec((NC, 128, H), lambda i: (0, i, 0)),
            pl.BlockSpec((1, D), lambda i: (0, 0)),
        ],
        out_specs=pl.BlockSpec((128, D), lambda i: (i, 0)),
        out_shape=jax.ShapeDtypeStruct((N, D), jnp.float32),
    )(s2, g2, deg2, b)


def kernel(x, edge_index, W1, b1, W2, b2):
    src = edge_index[0].astype(jnp.int32)
    dst = edge_index[1].astype(jnp.int32)
    src2 = src.reshape(NT, EPT)
    dst2 = dst.reshape(NT, EPT)

    dump = jnp.broadcast_to(N + jnp.arange(PADT, dtype=jnp.int32),
                            (NT, PADT))
    dst_t = jnp.concatenate([dst2, dump], axis=1).reshape(NT, NB, EB)

    src_t = jnp.pad(src2, ((0, 0), (0, PADT))).reshape(NT, NB, EB)
    src_all = jnp.stack([src_t, src_t + N]).reshape(NC * NT, NB, EB)

    zeros_h = jnp.zeros((ZR, H), jnp.float32)
    ones_h = jnp.ones((EB, H), jnp.float32)
    b1r = b1.reshape(1, D)
    b2r = b2.reshape(1, D)

    m1 = _mm_raw(x, W1)
    deg2 = _deg_sc(dst_t, ones_h, zeros_h).reshape(NC, N, H)
    g1 = _scale(m1, deg2)
    s1 = _agg_sc(g1.reshape(NC * N, H), src_all, dst_t, zeros_h)
    g2 = _mid(s1.reshape(NC, N, H), g1, deg2, b1r, W2)
    s2 = _agg_sc(g2.reshape(NC * N, H), src_all, dst_t, zeros_h)
    return _final(s2.reshape(NC, N, H), g2, deg2, b2r)

# --- scband reference (transcript-rebuilt; emitter-appended) ---
"""Pipeline reference for scband-encoder-24438363914369 (READ-ONLY COPY).

The authoritative reference and input builder live on the scoring server;
editing this copy changes nothing except your own understanding.
"""

import jax, jax.numpy as jnp
import numpy as np

N_NODES = 10000
D_IN = 256
D_OUT = 256
N_EDGES = 160000


def _gcn_conv(x, W, b, src, dst, n):
    # GCNConv with normalize=True, add_self_loops=True (PyG defaults)
    loop = jnp.arange(n, dtype=src.dtype)
    src_f = jnp.concatenate([src, loop])
    dst_f = jnp.concatenate([dst, loop])
    w = jnp.ones(src_f.shape[0], dtype=x.dtype)
    deg = jnp.zeros((n,), dtype=x.dtype).at[dst_f].add(w)
    dinv = jnp.where(deg > 0, jax.lax.rsqrt(deg), 0.0)
    norm = dinv[src_f] * dinv[dst_f]
    h = x @ W  # linear transform first (standard GCNConv ordering)
    msg = jnp.take(h, src_f, axis=0) * norm[:, None]  # gather + scale
    out = jnp.zeros_like(h).at[dst_f].add(msg)  # scatter-add aggregation
    return out + b


def setup_inputs(seed: int = 0) -> dict:
    key = jax.random.key(seed)
    k1, k2, k3, k4, k5 = jax.random.split(key, 5)
    x = jax.random.normal(k1, (N_NODES, D_IN), dtype=jnp.float32)
    edge_index = jax.random.randint(k2, (2, N_EDGES), 0, N_NODES, dtype=jnp.int64)
    # Xavier-uniform style init for GCN layer weights
    lim1 = float(np.sqrt(6.0 / (D_IN + D_OUT)))
    W1 = jax.random.uniform(k3, (D_IN, D_OUT), dtype=jnp.float32, minval=-lim1, maxval=lim1)
    b1 = jnp.zeros((D_OUT,), dtype=jnp.float32)
    lim2 = float(np.sqrt(6.0 / (D_OUT + D_OUT)))
    W2 = jax.random.uniform(k4, (D_OUT, D_OUT), dtype=jnp.float32, minval=-lim2, maxval=lim2)
    b2 = jnp.zeros((D_OUT,), dtype=jnp.float32)
    return {"x": x, "edge_index": edge_index, "W1": W1, "b1": b1, "W2": W2, "b2": b2}


def reference(x, edge_index, W1, b1, W2, b2):
    # Encoder(base_model='gcn', num_layers=2): stacked GCNConv layers with ReLU between
    src = edge_index[0]
    dst = edge_index[1]
    n = x.shape[0]
    h = _gcn_conv(x, W1, b1, src, dst, n)
    h = jax.nn.relu(h)
    h = _gcn_conv(h, W2, b2, src, dst, n)
    return h

if __name__ == "__main__":
    import jax
    _d = setup_inputs()
    print(jax.jit(kernel)(*tuple(_d.values())))

</pallas_src>

<mosaic_0001>
#map = affine_map<(d0, d1) -> (0, 0)>
#map1 = affine_map<(d0, d1) -> (0, 0, 0)>
module attributes {stable_mosaic.version = 14 : i64} {
  func.func @_agg_sc(%arg0: i32, %arg1: i32, %arg2: memref<20000x128xf32, #tpu.memory_space<hbm>>, %arg3: memref<32x79x128xi32, #tpu.memory_space<hbm>>, %arg4: memref<16x79x128xi32, #tpu.memory_space<hbm>>, %arg5: memref<632x128xf32, #tpu.memory_space<hbm>>, %arg6: memref<20000x128xf32, #tpu.memory_space<hbm>>, %arg7: memref<79x128xi32, #tpu.memory_space<vmem>>, %arg8: memref<79x128xi32, #tpu.memory_space<vmem>>, %arg9: memref<128x128xf32, #tpu.memory_space<vmem>>, %arg10: memref<10112x128xf32, #tpu.memory_space<vmem_shared>>, %arg11: memref<!tpu.dma_semaphore, #tpu.memory_space<semaphore_mem>>) attributes {dimension_semantics = [#tpu.dimension_semantics<core_parallel>, #tpu.dimension_semantics<subcore_parallel>], iteration_bounds = array<i64: 2, 16>, scalar_prefetch = 0 : i64, scratch_operands = 5 : i64, tpu.core_type = #tpu.core_type<sc_vector_subcore>, window_params = [{transform_indices = #map}, {transform_indices = #map1}, {transform_indices = #map1}, {transform_indices = #map}, {transform_indices = #map}]} {
    %mul3A = arith.constant 16 : i32
    %mul3A_0 = arith.muli %arg0, %mul3A : i32
    %add3A = arith.addi %mul3A_0, %arg1 : i32
    %mul3A_1 = arith.constant 632 : i32
    %mul3A_2 = arith.muli %arg1, %mul3A_1 : i32
    "tpu.region"() ({
      %run_scoped3A = tpu.sem_alloc : memref<!tpu.dma_semaphore, #tpu.memory_space<semaphore_mem>>
      %dma_start3A = arith.constant 0 : i32
      %dma_start3A_18 = tpu.memref_slice %arg10[%mul3A_2, %dma_start3A] : memref<10112x128xf32, #tpu.memory_space<vmem_shared>> -> memref<632x128xf32, #tpu.memory_space<vmem_shared>>
      tpu.enqueue_dma source(%arg5 : memref<632x128xf32, #tpu.memory_space<hbm>>) target(%dma_start3A_18 : memref<632x128xf32, #tpu.memory_space<vmem_shared>>) target_semaphore(%run_scoped3A : memref<!tpu.dma_semaphore, #tpu.memory_space<semaphore_mem>>)
      %dma_wait3A = arith.constant 0 : i32
      %dma_wait3A_19 = tpu.memref_slice %arg10[%mul3A_2, %dma_wait3A] : memref<10112x128xf32, #tpu.memory_space<vmem_shared>> -> memref<632x128xf32, #tpu.memory_space<vmem_shared>>
      tpu.wait_dma2 semaphore(%run_scoped3A : memref<!tpu.dma_semaphore, #tpu.memory_space<semaphore_mem>>) src(%arg5 : memref<632x128xf32, #tpu.memory_space<hbm>>) dst(%dma_wait3A_19 : memref<632x128xf32, #tpu.memory_space<vmem_shared>>)
      tpu.yield
    }) : () -> ()
    "tpu.region"() ({
      %run_scoped3A = tpu.sem_alloc : memref<!tpu.dma_semaphore, #tpu.memory_space<semaphore_mem>>
      %dma_start3A = arith.constant 0 : i32
      %dma_start3A_18 = arith.constant 0 : i32
      %dma_start3A_19 = tpu.memref_slice %arg3[%add3A, %dma_start3A, %dma_start3A_18] : memref<32x79x128xi32, #tpu.memory_space<hbm>> -> memref<1x79x128xi32, #tpu.memory_space<hbm>>
      %dma_start3A_20 = tpu.memref_squeeze %dma_start3A_19 : memref<1x79x128xi32, #tpu.memory_space<hbm>> -> memref<79x128xi32, #tpu.memory_space<hbm>>
      %dma_start3A_21 = arith.constant 0 : i32
      %dma_start3A_22 = arith.constant 0 : i32
      %dma_start3A_23 = tpu.memref_slice %arg3[%add3A, %dma_start3A_21, %dma_start3A_22] : memref<32x79x128xi32, #tpu.memory_space<hbm>> -> memref<1x79x128xi32, #tpu.memory_space<hbm>>
      %dma_start3A_24 = tpu.memref_squeeze %dma_start3A_23 : memref<1x79x128xi32, #tpu.memory_space<hbm>> -> memref<79x128xi32, #tpu.memory_space<hbm>>
      tpu.enqueue_dma source(%dma_start3A_24 : memref<79x128xi32, #tpu.memory_space<hbm>>) target(%arg7 : memref<79x128xi32, #tpu.memory_space<vmem>>) target_semaphore(%run_scoped3A : memref<!tpu.dma_semaphore, #tpu.memory_space<semaphore_mem>>)
      %dma_wait3A = arith.constant 0 : i32
      %dma_wait3A_25 = arith.constant 0 : i32
      %dma_wait3A_26 = tpu.memref_slice %arg3[%add3A, %dma_wait3A, %dma_wait3A_25] : memref<32x79x128xi32, #tpu.memory_space<hbm>> -> memref<1x79x128xi32, #tpu.memory_space<hbm>>
      %dma_wait3A_27 = tpu.memref_squeeze %dma_wait3A_26 : memref<1x79x128xi32, #tpu.memory_space<hbm>> -> memref<79x128xi32, #tpu.memory_space<hbm>>
      %dma_wait3A_28 = arith.constant 0 : i32
      %dma_wait3A_29 = arith.constant 0 : i32
      %dma_wait3A_30 = tpu.memref_slice %arg3[%add3A, %dma_wait3A_28, %dma_wait3A_29] : memref<32x79x128xi32, #tpu.memory_space<hbm>> -> memref<1x79x128xi32, #tpu.memory_space<hbm>>
      %dma_wait3A_31 = tpu.memref_squeeze %dma_wait3A_30 : memref<1x79x128xi32, #tpu.memory_space<hbm>> -> memref<79x128xi32, #tpu.memory_space<hbm>>
      tpu.wait_dma2 semaphore(%run_scoped3A : memref<!tpu.dma_semaphore, #tpu.memory_space<semaphore_mem>>) src(%dma_wait3A_31 : memref<79x128xi32, #tpu.memory_space<hbm>>) dst(%arg7 : memref<79x128xi32, #tpu.memory_space<vmem>>)
      tpu.yield
    }) : () -> ()
    "tpu.region"() ({
      %run_scoped3A = tpu.sem_alloc : memref<!tpu.dma_semaphore, #tpu.memory_space<semaphore_mem>>
      %dma_start3A = arith.constant 0 : i32
      %dma_start3A_18 = arith.constant 0 : i32
      %dma_start3A_19 = tpu.memref_slice %arg4[%arg1, %dma_start3A, %dma_start3A_18] : memref<16x79x128xi32, #tpu.memory_space<hbm>> -> memref<1x79x128xi32, #tpu.memory_space<hbm>>
      %dma_start3A_20 = tpu.memref_squeeze %dma_start3A_19 : memref<1x79x128xi32, #tpu.memory_space<hbm>> -> memref<79x128xi32, #tpu.memory_space<hbm>>
      %dma_start3A_21 = arith.constant 0 : i32
      %dma_start3A_22 = arith.constant 0 : i32
      %dma_start3A_23 = tpu.memref_slice %arg4[%arg1, %dma_start3A_21, %dma_start3A_22] : memref<16x79x128xi32, #tpu.memory_space<hbm>> -> memref<1x79x128xi32, #tpu.memory_space<hbm>>
      %dma_start3A_24 = tpu.memref_squeeze %dma_start3A_23 : memref<1x79x128xi32, #tpu.memory_space<hbm>> -> memref<79x128xi32, #tpu.memory_space<hbm>>
      tpu.enqueue_dma source(%dma_start3A_24 : memref<79x128xi32, #tpu.memory_space<hbm>>) target(%arg8 : memref<79x128xi32, #tpu.memory_space<vmem>>) target_semaphore(%run_scoped3A : memref<!tpu.dma_semaphore, #tpu.memory_space<semaphore_mem>>)
      %dma_wait3A = arith.constant 0 : i32
      %dma_wait3A_25 = arith.constant 0 : i32
      %dma_wait3A_26 = tpu.memref_slice %arg4[%arg1, %dma_wait3A, %dma_wait3A_25] : memref<16x79x128xi32, #tpu.memory_space<hbm>> -> memref<1x79x128xi32, #tpu.memory_space<hbm>>
      %dma_wait3A_27 = tpu.memref_squeeze %dma_wait3A_26 : memref<1x79x128xi32, #tpu.memory_space<hbm>> -> memref<79x128xi32, #tpu.memory_space<hbm>>
      %dma_wait3A_28 = arith.constant 0 : i32
      %dma_wait3A_29 = arith.constant 0 : i32
      %dma_wait3A_30 = tpu.memref_slice %arg4[%arg1, %dma_wait3A_28, %dma_wait3A_29] : memref<16x79x128xi32, #tpu.memory_space<hbm>> -> memref<1x79x128xi32, #tpu.memory_space<hbm>>
      %dma_wait3A_31 = tpu.memref_squeeze %dma_wait3A_30 : memref<1x79x128xi32, #tpu.memory_space<hbm>> -> memref<79x128xi32, #tpu.memory_space<hbm>>
      tpu.wait_dma2 semaphore(%run_scoped3A : memref<!tpu.dma_semaphore, #tpu.memory_space<semaphore_mem>>) src(%dma_wait3A_31 : memref<79x128xi32, #tpu.memory_space<hbm>>) dst(%arg8 : memref<79x128xi32, #tpu.memory_space<vmem>>)
      tpu.yield
    }) : () -> ()
    %barrier3A = arith.constant 0 : index
    tpu.barrier barrier_id(%barrier3A)
    %scan3A = arith.constant 0 : i32
    %scan3A_3 = arith.constant 0 : i32
    %scan3A_4 = arith.constant 79 : i32
    %scan3A_5 = arith.addi %scan3A_3, %scan3A_4 : i32
    %scan3A_6 = arith.constant 1 : i32
    scf.for %scan3A_18 = %scan3A_3 to %scan3A_5 step %scan3A_6  : i32 {
      %dma_start3A = arith.constant 0 : i32
      %dma_start3A_19 = tpu.memref_slice %arg7[%scan3A_18, %dma_start3A] : memref<79x128xi32, #tpu.memory_space<vmem>> -> memref<1x128xi32, #tpu.memory_space<vmem>>
      %dma_start3A_20 = tpu.memref_squeeze %dma_start3A_19 : memref<1x128xi32, #tpu.memory_space<vmem>> -> memref<128xi32, #tpu.memory_space<vmem>>
      %dma_start3A_21 = arith.constant 0 : i32
      %dma_start3A_22 = arith.constant 0 : i32
      %dma_start3A_23 = tpu.memref_slice %arg2[%dma_start3A_21, %dma_start3A_22] : memref<20000x128xf32, #tpu.memory_space<hbm>> -> memref<20000x128xf32, #tpu.memory_space<hbm>>
      tpu.enqueue_indirect_dma source(%dma_start3A_23 : memref<20000x128xf32, #tpu.memory_space<hbm>>) target(%arg9 : memref<128x128xf32, #tpu.memory_space<vmem>>) offsets(%dma_start3A_20 : memref<128xi32, #tpu.memory_space<vmem>>) semaphore(%arg11 : memref<!tpu.dma_semaphore, #tpu.memory_space<semaphore_mem>>)
      %dma_wait3A = arith.constant 0 : i32
      %dma_wait3A_24 = tpu.memref_slice %arg7[%scan3A_18, %dma_wait3A] : memref<79x128xi32, #tpu.memory_space<vmem>> -> memref<1x128xi32, #tpu.memory_space<vmem>>
      %dma_wait3A_25 = tpu.memref_squeeze %dma_wait3A_24 : memref<1x128xi32, #tpu.memory_space<vmem>> -> memref<128xi32, #tpu.memory_space<vmem>>
      %dma_wait3A_26 = arith.constant 0 : i32
      %dma_wait3A_27 = arith.constant 0 : i32
      %dma_wait3A_28 = tpu.memref_slice %arg2[%dma_wait3A_26, %dma_wait3A_27] : memref<20000x128xf32, #tpu.memory_space<hbm>> -> memref<20000x128xf32, #tpu.memory_space<hbm>>
      tpu.wait_indirect_dma semaphore(%arg11 : memref<!tpu.dma_semaphore, #tpu.memory_space<semaphore_mem>>) src(%dma_wait3A_28 : memref<20000x128xf32, #tpu.memory_space<hbm>>) dst(%arg9 : memref<128x128xf32, #tpu.memory_space<vmem>>)
      "tpu.region"() ({
        %run_scoped3A = tpu.sem_alloc : memref<!tpu.dma_semaphore, #tpu.memory_space<semaphore_mem>>
        %dma_start3A_29 = arith.constant 0 : i32
        %dma_start3A_30 = tpu.memref_slice %arg8[%scan3A_18, %dma_start3A_29] : memref<79x128xi32, #tpu.memory_space<vmem>> -> memref<1x128xi32, #tpu.memory_space<vmem>>
        %dma_start3A_31 = tpu.memref_squeeze %dma_start3A_30 : memref<1x128xi32, #tpu.memory_space<vmem>> -> memref<128xi32, #tpu.memory_space<vmem>>
        %dma_start3A_32 = arith.constant 0 : i32
        %dma_start3A_33 = arith.constant 0 : i32
        %dma_start3A_34 = tpu.memref_slice %arg10[%dma_start3A_32, %dma_start3A_33] : memref<10112x128xf32, #tpu.memory_space<vmem_shared>> -> memref<10112x128xf32, #tpu.memory_space<vmem_shared>>
        tpu.enqueue_indirect_dma source(%arg9 : memref<128x128xf32, #tpu.memory_space<vmem>>) target(%dma_start3A_34 : memref<10112x128xf32, #tpu.memory_space<vmem_shared>>) offsets(%dma_start3A_31 : memref<128xi32, #tpu.memory_space<vmem>>) semaphore(%run_scoped3A : memref<!tpu.dma_semaphore, #tpu.memory_space<semaphore_mem>>) {add = true}
        %dma_wait3A_35 = arith.constant 0 : i32
        %dma_wait3A_36 = tpu.memref_slice %arg8[%scan3A_18, %dma_wait3A_35] : memref<79x128xi32, #tpu.memory_space<vmem>> -> memref<1x128xi32, #tpu.memory_space<vmem>>
        %dma_wait3A_37 = tpu.memref_squeeze %dma_wait3A_36 : memref<1x128xi32, #tpu.memory_space<vmem>> -> memref<128xi32, #tpu.memory_space<vmem>>
        %dma_wait3A_38 = arith.constant 0 : i32
        %dma_wait3A_39 = arith.constant 0 : i32
        %dma_wait3A_40 = tpu.memref_slice %arg10[%dma_wait3A_38, %dma_wait3A_39] : memref<10112x128xf32, #tpu.memory_space<vmem_shared>> -> memref<10112x128xf32, #tpu.memory_space<vmem_shared>>
        tpu.wait_indirect_dma semaphore(%run_scoped3A : memref<!tpu.dma_semaphore, #tpu.memory_space<semaphore_mem>>) src(%arg9 : memref<128x128xf32, #tpu.memory_space<vmem>>) dst(%dma_wait3A_40 : memref<10112x128xf32, #tpu.memory_space<vmem_shared>>)
        tpu.yield
      }) : () -> ()
    }
    %scan3A_7 = arith.constant 79 : i32
    %barrier3A_8 = arith.constant 0 : index
    tpu.barrier barrier_id(%barrier3A_8)
    %mul3A_9 = arith.constant 624 : i32
    %mul3A_10 = arith.muli %arg1, %mul3A_9 : i32
    %mul3A_11 = arith.constant 10000 : i32
    %mul3A_12 = arith.muli %arg0, %mul3A_11 : i32
    %mul3A_13 = arith.constant 624 : i32
    %mul3A_14 = arith.muli %arg1, %mul3A_13 : i32
    %add3A_15 = arith.addi %mul3A_12, %mul3A_14 : i32
    "tpu.region"() ({
      %run_scoped3A = tpu.sem_alloc : memref<!tpu.dma_semaphore, #tpu.memory_space<semaphore_mem>>
      %dma_start3A = arith.constant 0 : i32
      %dma_start3A_18 = tpu.memref_slice %arg6[%add3A_15, %dma_start3A] : memref<20000x128xf32, #tpu.memory_space<hbm>> -> memref<624x128xf32, #tpu.memory_space<hbm>>
      %dma_start3A_19 = arith.constant 0 : i32
      %dma_start3A_20 = tpu.memref_slice %arg10[%mul3A_10, %dma_start3A_19] : memref<10112x128xf32, #tpu.memory_space<vmem_shared>> -> memref<624x128xf32, #tpu.memory_space<vmem_shared>>
      tpu.enqueue_dma source(%dma_start3A_20 : memref<624x128xf32, #tpu.memory_space<vmem_shared>>) target(%dma_start3A_18 : memref<624x128xf32, #tpu.memory_space<hbm>>) target_semaphore(%run_scoped3A : memref<!tpu.dma_semaphore, #tpu.memory_space<semaphore_mem>>)
      %dma_wait3A = arith.constant 0 : i32
      %dma_wait3A_21 = tpu.memref_slice %arg6[%add3A_15, %dma_wait3A] : memref<20000x128xf32, #tpu.memory_space<hbm>> -> memref<624x128xf32, #tpu.memory_space<hbm>>
      %dma_wait3A_22 = arith.constant 0 : i32
      %dma_wait3A_23 = tpu.memref_slice %arg10[%mul3A_10, %dma_wait3A_22] : memref<10112x128xf32, #tpu.memory_space<vmem_shared>> -> memref<624x128xf32, #tpu.memory_space<vmem_shared>>
      tpu.wait_dma2 semaphore(%run_scoped3A : memref<!tpu.dma_semaphore, #tpu.memory_space<semaphore_mem>>) src(%dma_wait3A_23 : memref<624x128xf32, #tpu.memory_space<vmem_shared>>) dst(%dma_wait3A_21 : memref<624x128xf32, #tpu.memory_space<hbm>>)
      tpu.yield
    }) : () -> ()
    %eq3A = arith.constant 0 : i32
    %eq3A_16 = arith.cmpi eq, %arg1, %eq3A : i32
    %convert_element_type3A = arith.extui %eq3A_16 : i1 to i32
    %cond3A = arith.constant 0 : i32
    %cond3A_17 = arith.cmpi ne, %convert_element_type3A, %cond3A : i32
    scf.if %cond3A_17 {
      %mul3A_18 = arith.constant 10000 : i32
      %mul3A_19 = arith.muli %arg0, %mul3A_18 : i32
      %add3A_20 = arith.constant 9984 : i32
      %add3A_21 = arith.addi %mul3A_19, %add3A_20 : i32
      "tpu.region"() ({
        %run_scoped3A = tpu.sem_alloc : memref<!tpu.dma_semaphore, #tpu.memory_space<semaphore_mem>>
        %dma_start3A = arith.constant 0 : i32
        %dma_start3A_22 = tpu.memref_slice %arg6[%add3A_21, %dma_start3A] : memref<20000x128xf32, #tpu.memory_space<hbm>> -> memref<16x128xf32, #tpu.memory_space<hbm>>
        %dma_start3A_23 = arith.constant 9984 : i32
        %dma_start3A_24 = arith.constant 0 : i32
        %dma_start3A_25 = tpu.memref_slice %arg10[%dma_start3A_23, %dma_start3A_24] : memref<10112x128xf32, #tpu.memory_space<vmem_shared>> -> memref<16x128xf32, #tpu.memory_space<vmem_shared>>
        tpu.enqueue_dma source(%dma_start3A_25 : memref<16x128xf32, #tpu.memory_space<vmem_shared>>) target(%dma_start3A_22 : memref<16x128xf32, #tpu.memory_space<hbm>>) target_semaphore(%run_scoped3A : memref<!tpu.dma_semaphore, #tpu.memory_space<semaphore_mem>>)
        %dma_wait3A = arith.constant 0 : i32
        %dma_wait3A_26 = tpu.memref_slice %arg6[%add3A_21, %dma_wait3A] : memref<20000x128xf32, #tpu.memory_space<hbm>> -> memref<16x128xf32, #tpu.memory_space<hbm>>
        %dma_wait3A_27 = arith.constant 9984 : i32
        %dma_wait3A_28 = arith.constant 0 : i32
        %dma_wait3A_29 = tpu.memref_slice %arg10[%dma_wait3A_27, %dma_wait3A_28] : memref<10112x128xf32, #tpu.memory_space<vmem_shared>> -> memref<16x128xf32, #tpu.memory_space<vmem_shared>>
        tpu.wait_dma2 semaphore(%run_scoped3A : memref<!tpu.dma_semaphore, #tpu.memory_space<semaphore_mem>>) src(%dma_wait3A_29 : memref<16x128xf32, #tpu.memory_space<vmem_shared>>) dst(%dma_wait3A_26 : memref<16x128xf32, #tpu.memory_space<hbm>>)
        tpu.yield
      }) : () -> ()
    } else {
    }
    return
  }
}

#map = affine_map<(d0, d1) -> (0, 0)>
#map1 = affine_map<(d0, d1) -> (0, 0, 0)>
module attributes {stable_mosaic.version = 14 : i64} {
  func.func @_agg_sc(%arg0: i32, %arg1: i32, %arg2: memref<20000x128xf32, #tpu.memory_space<hbm>>, %arg3: memref<32x79x128xi32, #tpu.memory_space<hbm>>, %arg4: memref<16x79x128xi32, #tpu.memory_space<hbm>>, %arg5: memref<632x128xf32, #tpu.memory_space<hbm>>, %arg6: memref<20000x128xf32, #tpu.memory_space<hbm>>, %arg7: memref<79x128xi32, #tpu.memory_space<vmem>>, %arg8: memref<79x128xi32, #tpu.memory_space<vmem>>, %arg9: memref<128x128xf32, #tpu.memory_space<vmem>>, %arg10: memref<10112x128xf32, #tpu.memory_space<vmem_shared>>, %arg11: memref<!tpu.dma_semaphore, #tpu.memory_space<semaphore_mem>>) attributes {dimension_semantics = [#tpu.dimension_semantics<core_parallel>, #tpu.dimension_semantics<subcore_parallel>], iteration_bounds = array<i64: 2, 16>, scalar_prefetch = 0 : i64, scratch_operands = 5 : i64, tpu.core_type = #tpu.core_type<sc_vector_subcore>, window_params = [{transform_indices = #map}, {transform_indices = #map1}, {transform_indices = #map1}, {transform_indices = #map}, {transform_indices = #map}]} {
    %mul3A = arith.constant 16 : i32
    %mul3A_0 = arith.muli %arg0, %mul3A : i32
    %add3A = arith.addi %mul3A_0, %arg1 : i32
    %mul3A_1 = arith.constant 632 : i32
    %mul3A_2 = arith.muli %arg1, %mul3A_1 : i32
    "tpu.region"() ({
      %run_scoped3A = tpu.sem_alloc : memref<!tpu.dma_semaphore, #tpu.memory_space<semaphore_mem>>
      %dma_start3A = arith.constant 0 : i32
      %dma_start3A_18 = tpu.memref_slice %arg10[%mul3A_2, %dma_start3A] : memref<10112x128xf32, #tpu.memory_space<vmem_shared>> -> memref<632x128xf32, #tpu.memory_space<vmem_shared>>
      tpu.enqueue_dma source(%arg5 : memref<632x128xf32, #tpu.memory_space<hbm>>) target(%dma_start3A_18 : memref<632x128xf32, #tpu.memory_space<vmem_shared>>) target_semaphore(%run_scoped3A : memref<!tpu.dma_semaphore, #tpu.memory_space<semaphore_mem>>)
      %dma_wait3A = arith.constant 0 : i32
      %dma_wait3A_19 = tpu.memref_slice %arg10[%mul3A_2, %dma_wait3A] : memref<10112x128xf32, #tpu.memory_space<vmem_shared>> -> memref<632x128xf32, #tpu.memory_space<vmem_shared>>
      tpu.wait_dma2 semaphore(%run_scoped3A : memref<!tpu.dma_semaphore, #tpu.memory_space<semaphore_mem>>) src(%arg5 : memref<632x128xf32, #tpu.memory_space<hbm>>) dst(%dma_wait3A_19 : memref<632x128xf32, #tpu.memory_space<vmem_shared>>)
      tpu.yield
    }) : () -> ()
    "tpu.region"() ({
      %run_scoped3A = tpu.sem_alloc : memref<!tpu.dma_semaphore, #tpu.memory_space<semaphore_mem>>
      %dma_start3A = arith.constant 0 : i32
      %dma_start3A_18 = arith.constant 0 : i32
      %dma_start3A_19 = tpu.memref_slice %arg3[%add3A, %dma_start3A, %dma_start3A_18] : memref<32x79x128xi32, #tpu.memory_space<hbm>> -> memref<1x79x128xi32, #tpu.memory_space<hbm>>
      %dma_start3A_20 = tpu.memref_squeeze %dma_start3A_19 : memref<1x79x128xi32, #tpu.memory_space<hbm>> -> memref<79x128xi32, #tpu.memory_space<hbm>>
      %dma_start3A_21 = arith.constant 0 : i32
      %dma_start3A_22 = arith.constant 0 : i32
      %dma_start3A_23 = tpu.memref_slice %arg3[%add3A, %dma_start3A_21, %dma_start3A_22] : memref<32x79x128xi32, #tpu.memory_space<hbm>> -> memref<1x79x128xi32, #tpu.memory_space<hbm>>
      %dma_start3A_24 = tpu.memref_squeeze %dma_start3A_23 : memref<1x79x128xi32, #tpu.memory_space<hbm>> -> memref<79x128xi32, #tpu.memory_space<hbm>>
      tpu.enqueue_dma source(%dma_start3A_24 : memref<79x128xi32, #tpu.memory_space<hbm>>) target(%arg7 : memref<79x128xi32, #tpu.memory_space<vmem>>) target_semaphore(%run_scoped3A : memref<!tpu.dma_semaphore, #tpu.memory_space<semaphore_mem>>)
      %dma_wait3A = arith.constant 0 : i32
      %dma_wait3A_25 = arith.constant 0 : i32
      %dma_wait3A_26 = tpu.memref_slice %arg3[%add3A, %dma_wait3A, %dma_wait3A_25] : memref<32x79x128xi32, #tpu.memory_space<hbm>> -> memref<1x79x128xi32, #tpu.memory_space<hbm>>
      %dma_wait3A_27 = tpu.memref_squeeze %dma_wait3A_26 : memref<1x79x128xi32, #tpu.memory_space<hbm>> -> memref<79x128xi32, #tpu.memory_space<hbm>>
      %dma_wait3A_28 = arith.constant 0 : i32
      %dma_wait3A_29 = arith.constant 0 : i32
      %dma_wait3A_30 = tpu.memref_slice %arg3[%add3A, %dma_wait3A_28, %dma_wait3A_29] : memref<32x79x128xi32, #tpu.memory_space<hbm>> -> memref<1x79x128xi32, #tpu.memory_space<hbm>>
      %dma_wait3A_31 = tpu.memref_squeeze %dma_wait3A_30 : memref<1x79x128xi32, #tpu.memory_space<hbm>> -> memref<79x128xi32, #tpu.memory_space<hbm>>
      tpu.wait_dma2 semaphore(%run_scoped3A : memref<!tpu.dma_semaphore, #tpu.memory_space<semaphore_mem>>) src(%dma_wait3A_31 : memref<79x128xi32, #tpu.memory_space<hbm>>) dst(%arg7 : memref<79x128xi32, #tpu.memory_space<vmem>>)
      tpu.yield
    }) : () -> ()
    "tpu.region"() ({
      %run_scoped3A = tpu.sem_alloc : memref<!tpu.dma_semaphore, #tpu.memory_space<semaphore_mem>>
      %dma_start3A = arith.constant 0 : i32
      %dma_start3A_18 = arith.constant 0 : i32
      %dma_start3A_19 = tpu.memref_slice %arg4[%arg1, %dma_start3A, %dma_start3A_18] : memref<16x79x128xi32, #tpu.memory_space<hbm>> -> memref<1x79x128xi32, #tpu.memory_space<hbm>>
      %dma_start3A_20 = tpu.memref_squeeze %dma_start3A_19 : memref<1x79x128xi32, #tpu.memory_space<hbm>> -> memref<79x128xi32, #tpu.memory_space<hbm>>
      %dma_start3A_21 = arith.constant 0 : i32
      %dma_start3A_22 = arith.constant 0 : i32
      %dma_start3A_23 = tpu.memref_slice %arg4[%arg1, %dma_start3A_21, %dma_start3A_22] : memref<16x79x128xi32, #tpu.memory_space<hbm>> -> memref<1x79x128xi32, #tpu.memory_space<hbm>>
      %dma_start3A_24 = tpu.memref_squeeze %dma_start3A_23 : memref<1x79x128xi32, #tpu.memory_space<hbm>> -> memref<79x128xi32, #tpu.memory_space<hbm>>
      tpu.enqueue_dma source(%dma_start3A_24 : memref<79x128xi32, #tpu.memory_space<hbm>>) target(%arg8 : memref<79x128xi32, #tpu.memory_space<vmem>>) target_semaphore(%run_scoped3A : memref<!tpu.dma_semaphore, #tpu.memory_space<semaphore_mem>>)
      %dma_wait3A = arith.constant 0 : i32
      %dma_wait3A_25 = arith.constant 0 : i32
      %dma_wait3A_26 = tpu.memref_slice %arg4[%arg1, %dma_wait3A, %dma_wait3A_25] : memref<16x79x128xi32, #tpu.memory_space<hbm>> -> memref<1x79x128xi32, #tpu.memory_space<hbm>>
      %dma_wait3A_27 = tpu.memref_squeeze %dma_wait3A_26 : memref<1x79x128xi32, #tpu.memory_space<hbm>> -> memref<79x128xi32, #tpu.memory_space<hbm>>
      %dma_wait3A_28 = arith.constant 0 : i32
      %dma_wait3A_29 = arith.constant 0 : i32
      %dma_wait3A_30 = tpu.memref_slice %arg4[%arg1, %dma_wait3A_28, %dma_wait3A_29] : memref<16x79x128xi32, #tpu.memory_space<hbm>> -> memref<1x79x128xi32, #tpu.memory_space<hbm>>
      %dma_wait3A_31 = tpu.memref_squeeze %dma_wait3A_30 : memref<1x79x128xi32, #tpu.memory_space<hbm>> -> memref<79x128xi32, #tpu.memory_space<hbm>>
      tpu.wait_dma2 semaphore(%run_scoped3A : memref<!tpu.dma_semaphore, #tpu.memory_space<semaphore_mem>>) src(%dma_wait3A_31 : memref<79x128xi32, #tpu.memory_space<hbm>>) dst(%arg8 : memref<79x128xi32, #tpu.memory_space<vmem>>)
      tpu.yield
    }) : () -> ()
    %barrier3A = arith.constant 0 : index
    tpu.barrier barrier_id(%barrier3A)
    %scan3A = arith.constant 0 : i32
    %scan3A_3 = arith.constant 0 : i32
    %scan3A_4 = arith.constant 79 : i32
    %scan3A_5 = arith.addi %scan3A_3, %scan3A_4 : i32
    %scan3A_6 = arith.constant 1 : i32
    scf.for %scan3A_18 = %scan3A_3 to %scan3A_5 step %scan3A_6  : i32 {
      %dma_start3A = arith.constant 0 : i32
      %dma_start3A_19 = tpu.memref_slice %arg7[%scan3A_18, %dma_start3A] : memref<79x128xi32, #tpu.memory_space<vmem>> -> memref<1x128xi32, #tpu.memory_space<vmem>>
      %dma_start3A_20 = tpu.memref_squeeze %dma_start3A_19 : memref<1x128xi32, #tpu.memory_space<vmem>> -> memref<128xi32, #tpu.memory_space<vmem>>
      %dma_start3A_21 = arith.constant 0 : i32
      %dma_start3A_22 = arith.constant 0 : i32
      %dma_start3A_23 = tpu.memref_slice %arg2[%dma_start3A_21, %dma_start3A_22] : memref<20000x128xf32, #tpu.memory_space<hbm>> -> memref<20000x128xf32, #tpu.memory_space<hbm>>
      tpu.enqueue_indirect_dma source(%dma_start3A_23 : memref<20000x128xf32, #tpu.memory_space<hbm>>) target(%arg9 : memref<128x128xf32, #tpu.memory_space<vmem>>) offsets(%dma_start3A_20 : memref<128xi32, #tpu.memory_space<vmem>>) semaphore(%arg11 : memref<!tpu.dma_semaphore, #tpu.memory_space<semaphore_mem>>)
      %dma_wait3A = arith.constant 0 : i32
      %dma_wait3A_24 = tpu.memref_slice %arg7[%scan3A_18, %dma_wait3A] : memref<79x128xi32, #tpu.memory_space<vmem>> -> memref<1x128xi32, #tpu.memory_space<vmem>>
      %dma_wait3A_25 = tpu.memref_squeeze %dma_wait3A_24 : memref<1x128xi32, #tpu.memory_space<vmem>> -> memref<128xi32, #tpu.memory_space<vmem>>
      %dma_wait3A_26 = arith.constant 0 : i32
      %dma_wait3A_27 = arith.constant 0 : i32
      %dma_wait3A_28 = tpu.memref_slice %arg2[%dma_wait3A_26, %dma_wait3A_27] : memref<20000x128xf32, #tpu.memory_space<hbm>> -> memref<20000x128xf32, #tpu.memory_space<hbm>>
      tpu.wait_indirect_dma semaphore(%arg11 : memref<!tpu.dma_semaphore, #tpu.memory_space<semaphore_mem>>) src(%dma_wait3A_28 : memref<20000x128xf32, #tpu.memory_space<hbm>>) dst(%arg9 : memref<128x128xf32, #tpu.memory_space<vmem>>)
      "tpu.region"() ({
        %run_scoped3A = tpu.sem_alloc : memref<!tpu.dma_semaphore, #tpu.memory_space<semaphore_mem>>
        %dma_start3A_29 = arith.constant 0 : i32
        %dma_start3A_30 = tpu.memref_slice %arg8[%scan3A_18, %dma_start3A_29] : memref<79x128xi32, #tpu.memory_space<vmem>> -> memref<1x128xi32, #tpu.memory_space<vmem>>
        %dma_start3A_31 = tpu.memref_squeeze %dma_start3A_30 : memref<1x128xi32, #tpu.memory_space<vmem>> -> memref<128xi32, #tpu.memory_space<vmem>>
        %dma_start3A_32 = arith.constant 0 : i32
        %dma_start3A_33 = arith.constant 0 : i32
        %dma_start3A_34 = tpu.memref_slice %arg10[%dma_start3A_32, %dma_start3A_33] : memref<10112x128xf32, #tpu.memory_space<vmem_shared>> -> memref<10112x128xf32, #tpu.memory_space<vmem_shared>>
        tpu.enqueue_indirect_dma source(%arg9 : memref<128x128xf32, #tpu.memory_space<vmem>>) target(%dma_start3A_34 : memref<10112x128xf32, #tpu.memory_space<vmem_shared>>) offsets(%dma_start3A_31 : memref<128xi32, #tpu.memory_space<vmem>>) semaphore(%run_scoped3A : memref<!tpu.dma_semaphore, #tpu.memory_space<semaphore_mem>>) {add = true}
        %dma_wait3A_35 = arith.constant 0 : i32
        %dma_wait3A_36 = tpu.memref_slice %arg8[%scan3A_18, %dma_wait3A_35] : memref<79x128xi32, #tpu.memory_space<vmem>> -> memref<1x128xi32, #tpu.memory_space<vmem>>
        %dma_wait3A_37 = tpu.memref_squeeze %dma_wait3A_36 : memref<1x128xi32, #tpu.memory_space<vmem>> -> memref<128xi32, #tpu.memory_space<vmem>>
        %dma_wait3A_38 = arith.constant 0 : i32
        %dma_wait3A_39 = arith.constant 0 : i32
        %dma_wait3A_40 = tpu.memref_slice %arg10[%dma_wait3A_38, %dma_wait3A_39] : memref<10112x128xf32, #tpu.memory_space<vmem_shared>> -> memref<10112x128xf32, #tpu.memory_space<vmem_shared>>
        tpu.wait_indirect_dma semaphore(%run_scoped3A : memref<!tpu.dma_semaphore, #tpu.memory_space<semaphore_mem>>) src(%arg9 : memref<128x128xf32, #tpu.memory_space<vmem>>) dst(%dma_wait3A_40 : memref<10112x128xf32, #tpu.memory_space<vmem_shared>>)
        tpu.yield
      }) : () -> ()
    }
    %scan3A_7 = arith.constant 79 : i32
    %barrier3A_8 = arith.constant 0 : index
    tpu.barrier barrier_id(%barrier3A_8)
    %mul3A_9 = arith.constant 624 : i32
    %mul3A_10 = arith.muli %arg1, %mul3A_9 : i32
    %mul3A_11 = arith.constant 10000 : i32
    %mul3A_12 = arith.muli %arg0, %mul3A_11 : i32
    %mul3A_13 = arith.constant 624 : i32
    %mul3A_14 = arith.muli %arg1, %mul3A_13 : i32
    %add3A_15 = arith.addi %mul3A_12, %mul3A_14 : i32
    "tpu.region"() ({
      %run_scoped3A = tpu.sem_alloc : memref<!tpu.dma_semaphore, #tpu.memory_space<semaphore_mem>>
      %dma_start3A = arith.constant 0 : i32
      %dma_start3A_18 = tpu.memref_slice %arg6[%add3A_15, %dma_start3A] : memref<20000x128xf32, #tpu.memory_space<hbm>> -> memref<624x128xf32, #tpu.memory_space<hbm>>
      %dma_start3A_19 = arith.constant 0 : i32
      %dma_start3A_20 = tpu.memref_slice %arg10[%mul3A_10, %dma_start3A_19] : memref<10112x128xf32, #tpu.memory_space<vmem_shared>> -> memref<624x128xf32, #tpu.memory_space<vmem_shared>>
      tpu.enqueue_dma source(%dma_start3A_20 : memref<624x128xf32, #tpu.memory_space<vmem_shared>>) target(%dma_start3A_18 : memref<624x128xf32, #tpu.memory_space<hbm>>) target_semaphore(%run_scoped3A : memref<!tpu.dma_semaphore, #tpu.memory_space<semaphore_mem>>)
      %dma_wait3A = arith.constant 0 : i32
      %dma_wait3A_21 = tpu.memref_slice %arg6[%add3A_15, %dma_wait3A] : memref<20000x128xf32, #tpu.memory_space<hbm>> -> memref<624x128xf32, #tpu.memory_space<hbm>>
      %dma_wait3A_22 = arith.constant 0 : i32
      %dma_wait3A_23 = tpu.memref_slice %arg10[%mul3A_10, %dma_wait3A_22] : memref<10112x128xf32, #tpu.memory_space<vmem_shared>> -> memref<624x128xf32, #tpu.memory_space<vmem_shared>>
      tpu.wait_dma2 semaphore(%run_scoped3A : memref<!tpu.dma_semaphore, #tpu.memory_space<semaphore_mem>>) src(%dma_wait3A_23 : memref<624x128xf32, #tpu.memory_space<vmem_shared>>) dst(%dma_wait3A_21 : memref<624x128xf32, #tpu.memory_space<hbm>>)
      tpu.yield
    }) : () -> ()
    %eq3A = arith.constant 0 : i32
    %eq3A_16 = arith.cmpi eq, %arg1, %eq3A : i32
    %convert_element_type3A = arith.extui %eq3A_16 : i1 to i32
    %cond3A = arith.constant 0 : i32
    %cond3A_17 = arith.cmpi ne, %convert_element_type3A, %cond3A : i32
    scf.if %cond3A_17 {
      %mul3A_18 = arith.constant 10000 : i32
      %mul3A_19 = arith.muli %arg0, %mul3A_18 : i32
      %add3A_20 = arith.constant 9984 : i32
      %add3A_21 = arith.addi %mul3A_19, %add3A_20 : i32
      "tpu.region"() ({
        %run_scoped3A = tpu.sem_alloc : memref<!tpu.dma_semaphore, #tpu.memory_space<semaphore_mem>>
        %dma_start3A = arith.constant 0 : i32
        %dma_start3A_22 = tpu.memref_slice %arg6[%add3A_21, %dma_start3A] : memref<20000x128xf32, #tpu.memory_space<hbm>> -> memref<16x128xf32, #tpu.memory_space<hbm>>
        %dma_start3A_23 = arith.constant 9984 : i32
        %dma_start3A_24 = arith.constant 0 : i32
        %dma_start3A_25 = tpu.memref_slice %arg10[%dma_start3A_23, %dma_start3A_24] : memref<10112x128xf32, #tpu.memory_space<vmem_shared>> -> memref<16x128xf32, #tpu.memory_space<vmem_shared>>
        tpu.enqueue_dma source(%dma_start3A_25 : memref<16x128xf32, #tpu.memory_space<vmem_shared>>) target(%dma_start3A_22 : memref<16x128xf32, #tpu.memory_space<hbm>>) target_semaphore(%run_scoped3A : memref<!tpu.dma_semaphore, #tpu.memory_space<semaphore_mem>>)
        %dma_wait3A = arith.constant 0 : i32
        %dma_wait3A_26 = tpu.memref_slice %arg6[%add3A_21, %dma_wait3A] : memref<20000x128xf32, #tpu.memory_space<hbm>> -> memref<16x128xf32, #tpu.memory_space<hbm>>
        %dma_wait3A_27 = arith.constant 9984 : i32
        %dma_wait3A_28 = arith.constant 0 : i32
        %dma_wait3A_29 = tpu.memref_slice %arg10[%dma_wait3A_27, %dma_wait3A_28] : memref<10112x128xf32, #tpu.memory_space<vmem_shared>> -> memref<16x128xf32, #tpu.memory_space<vmem_shared>>
        tpu.wait_dma2 semaphore(%run_scoped3A : memref<!tpu.dma_semaphore, #tpu.memory_space<semaphore_mem>>) src(%dma_wait3A_29 : memref<16x128xf32, #tpu.memory_space<vmem_shared>>) dst(%dma_wait3A_26 : memref<16x128xf32, #tpu.memory_space<hbm>>)
        tpu.yield
      }) : () -> ()
    } else {
    }
    return
  }
}

#map = affine_map<(d0, d1) -> (0, 0, 0)>
#map1 = affine_map<(d0, d1) -> (0, 0)>
module attributes {stable_mosaic.version = 14 : i64} {
  func.func @_deg_sc(%arg0: i32, %arg1: i32, %arg2: memref<16x79x128xi32, #tpu.memory_space<hbm>>, %arg3: memref<128x128xf32, #tpu.memory_space<hbm>>, %arg4: memref<632x128xf32, #tpu.memory_space<hbm>>, %arg5: memref<20000x128xf32, #tpu.memory_space<hbm>>, %arg6: memref<79x128xi32, #tpu.memory_space<vmem>>, %arg7: memref<128x128xf32, #tpu.memory_space<vmem>>, %arg8: memref<10112x128xf32, #tpu.memory_space<vmem_shared>>) attributes {dimension_semantics = [#tpu.dimension_semantics<core_parallel>, #tpu.dimension_semantics<subcore_parallel>], iteration_bounds = array<i64: 2, 16>, scalar_prefetch = 0 : i64, scratch_operands = 3 : i64, tpu.core_type = #tpu.core_type<sc_vector_subcore>, window_params = [{transform_indices = #map}, {transform_indices = #map1}, {transform_indices = #map1}, {transform_indices = #map1}]} {
    %mul3A = arith.constant 632 : i32
    %mul3A_0 = arith.muli %arg1, %mul3A : i32
    "tpu.region"() ({
      %run_scoped3A = tpu.sem_alloc : memref<!tpu.dma_semaphore, #tpu.memory_space<semaphore_mem>>
      %dma_start3A = arith.constant 0 : i32
      %dma_start3A_24 = tpu.memref_slice %arg8[%mul3A_0, %dma_start3A] : memref<10112x128xf32, #tpu.memory_space<vmem_shared>> -> memref<632x128xf32, #tpu.memory_space<vmem_shared>>
      tpu.enqueue_dma source(%arg4 : memref<632x128xf32, #tpu.memory_space<hbm>>) target(%dma_start3A_24 : memref<632x128xf32, #tpu.memory_space<vmem_shared>>) target_semaphore(%run_scoped3A : memref<!tpu.dma_semaphore, #tpu.memory_space<semaphore_mem>>)
      %dma_wait3A = arith.constant 0 : i32
      %dma_wait3A_25 = tpu.memref_slice %arg8[%mul3A_0, %dma_wait3A] : memref<10112x128xf32, #tpu.memory_space<vmem_shared>> -> memref<632x128xf32, #tpu.memory_space<vmem_shared>>
      tpu.wait_dma2 semaphore(%run_scoped3A : memref<!tpu.dma_semaphore, #tpu.memory_space<semaphore_mem>>) src(%arg4 : memref<632x128xf32, #tpu.memory_space<hbm>>) dst(%dma_wait3A_25 : memref<632x128xf32, #tpu.memory_space<vmem_shared>>)
      tpu.yield
    }) : () -> ()
    "tpu.region"() ({
      %run_scoped3A = tpu.sem_alloc : memref<!tpu.dma_semaphore, #tpu.memory_space<semaphore_mem>>
      %dma_start3A = arith.constant 0 : i32
      %dma_start3A_24 = arith.constant 0 : i32
      %dma_start3A_25 = tpu.memref_slice %arg2[%arg1, %dma_start3A, %dma_start3A_24] : memref<16x79x128xi32, #tpu.memory_space<hbm>> -> memref<1x79x128xi32, #tpu.memory_space<hbm>>
      %dma_start3A_26 = tpu.memref_squeeze %dma_start3A_25 : memref<1x79x128xi32, #tpu.memory_space<hbm>> -> memref<79x128xi32, #tpu.memory_space<hbm>>
      %dma_start3A_27 = arith.constant 0 : i32
      %dma_start3A_28 = arith.constant 0 : i32
      %dma_start3A_29 = tpu.memref_slice %arg2[%arg1, %dma_start3A_27, %dma_start3A_28] : memref<16x79x128xi32, #tpu.memory_space<hbm>> -> memref<1x79x128xi32, #tpu.memory_space<hbm>>
      %dma_start3A_30 = tpu.memref_squeeze %dma_start3A_29 : memref<1x79x128xi32, #tpu.memory_space<hbm>> -> memref<79x128xi32, #tpu.memory_space<hbm>>
      tpu.enqueue_dma source(%dma_start3A_30 : memref<79x128xi32, #tpu.memory_space<hbm>>) target(%arg6 : memref<79x128xi32, #tpu.memory_space<vmem>>) target_semaphore(%run_scoped3A : memref<!tpu.dma_semaphore, #tpu.memory_space<semaphore_mem>>)
      %dma_wait3A = arith.constant 0 : i32
      %dma_wait3A_31 = arith.constant 0 : i32
      %dma_wait3A_32 = tpu.memref_slice %arg2[%arg1, %dma_wait3A, %dma_wait3A_31] : memref<16x79x128xi32, #tpu.memory_space<hbm>> -> memref<1x79x128xi32, #tpu.memory_space<hbm>>
      %dma_wait3A_33 = tpu.memref_squeeze %dma_wait3A_32 : memref<1x79x128xi32, #tpu.memory_space<hbm>> -> memref<79x128xi32, #tpu.memory_space<hbm>>
      %dma_wait3A_34 = arith.constant 0 : i32
      %dma_wait3A_35 = arith.constant 0 : i32
      %dma_wait3A_36 = tpu.memref_slice %arg2[%arg1, %dma_wait3A_34, %dma_wait3A_35] : memref<16x79x128xi32, #tpu.memory_space<hbm>> -> memref<1x79x128xi32, #tpu.memory_space<hbm>>
      %dma_wait3A_37 = tpu.memref_squeeze %dma_wait3A_36 : memref<1x79x128xi32, #tpu.memory_space<hbm>> -> memref<79x128xi32, #tpu.memory_space<hbm>>
      tpu.wait_dma2 semaphore(%run_scoped3A : memref<!tpu.dma_semaphore, #tpu.memory_space<semaphore_mem>>) src(%dma_wait3A_37 : memref<79x128xi32, #tpu.memory_space<hbm>>) dst(%arg6 : memref<79x128xi32, #tpu.memory_space<vmem>>)
      tpu.yield
    }) : () -> ()
    "tpu.region"() ({
      %run_scoped3A = tpu.sem_alloc : memref<!tpu.dma_semaphore, #tpu.memory_space<semaphore_mem>>
      tpu.enqueue_dma source(%arg3 : memref<128x128xf32, #tpu.memory_space<hbm>>) target(%arg7 : memref<128x128xf32, #tpu.memory_space<vmem>>) target_semaphore(%run_scoped3A : memref<!tpu.dma_semaphore, #tpu.memory_space<semaphore_mem>>)
      tpu.wait_dma2 semaphore(%run_scoped3A : memref<!tpu.dma_semaphore, #tpu.memory_space<semaphore_mem>>) src(%arg3 : memref<128x128xf32, #tpu.memory_space<hbm>>) dst(%arg7 : memref<128x128xf32, #tpu.memory_space<vmem>>)
      tpu.yield
    }) : () -> ()
    %barrier3A = arith.constant 0 : index
    tpu.barrier barrier_id(%barrier3A)
    %mul3A_1 = arith.constant 40 : i32
    %mul3A_2 = arith.muli %arg0, %mul3A_1 : i32
    %mul3A_3 = arith.constant 39 : i32
    %mul3A_4 = arith.muli %arg0, %mul3A_3 : i32
    %add3A = arith.constant 40 : i32
    %add3A_5 = arith.addi %add3A, %mul3A_4 : i32
    %while3A = arith.constant 0 : i32
    %while3A_6 = arith.subi %add3A_5, %mul3A_2 : i32
    %while3A_7 = arith.addi %mul3A_2, %while3A_6 : i32
    %while3A_8 = arith.constant 1 : i32
    %while3A_9 = arith.divsi %while3A_6, %while3A_8 : i32
    %while3A_10 = arith.muli %while3A_9, %while3A_8 : i32
    %while3A_11 = arith.addi %mul3A_2, %while3A_10 : i32
    %while3A_12 = arith.constant 1 : i32
    scf.for %while3A_24 = %mul3A_2 to %while3A_11 step %while3A_12  : i32 {
      "tpu.region"() ({
        %run_scoped3A = tpu.sem_alloc : memref<!tpu.dma_semaphore, #tpu.memory_space<semaphore_mem>>
        %dma_start3A = arith.constant 0 : i32
        %dma_start3A_25 = tpu.memref_slice %arg6[%while3A_24, %dma_start3A] : memref<79x128xi32, #tpu.memory_space<vmem>> -> memref<1x128xi32, #tpu.memory_space<vmem>>
        %dma_start3A_26 = tpu.memref_squeeze %dma_start3A_25 : memref<1x128xi32, #tpu.memory_space<vmem>> -> memref<128xi32, #tpu.memory_space<vmem>>
        %dma_start3A_27 = arith.constant 0 : i32
        %dma_start3A_28 = arith.constant 0 : i32
        %dma_start3A_29 = tpu.memref_slice %arg8[%dma_start3A_27, %dma_start3A_28] : memref<10112x128xf32, #tpu.memory_space<vmem_shared>> -> memref<10112x128xf32, #tpu.memory_space<vmem_shared>>
        tpu.enqueue_indirect_dma source(%arg7 : memref<128x128xf32, #tpu.memory_space<vmem>>) target(%dma_start3A_29 : memref<10112x128xf32, #tpu.memory_space<vmem_shared>>) offsets(%dma_start3A_26 : memref<128xi32, #tpu.memory_space<vmem>>) semaphore(%run_scoped3A : memref<!tpu.dma_semaphore, #tpu.memory_space<semaphore_mem>>) {add = true}
        %dma_wait3A = arith.constant 0 : i32
        %dma_wait3A_30 = tpu.memref_slice %arg6[%while3A_24, %dma_wait3A] : memref<79x128xi32, #tpu.memory_space<vmem>> -> memref<1x128xi32, #tpu.memory_space<vmem>>
        %dma_wait3A_31 = tpu.memref_squeeze %dma_wait3A_30 : memref<1x128xi32, #tpu.memory_space<vmem>> -> memref<128xi32, #tpu.memory_space<vmem>>
        %dma_wait3A_32 = arith.constant 0 : i32
        %dma_wait3A_33 = arith.constant 0 : i32
        %dma_wait3A_34 = tpu.memref_slice %arg8[%dma_wait3A_32, %dma_wait3A_33] : memref<10112x128xf32, #tpu.memory_space<vmem_shared>> -> memref<10112x128xf32, #tpu.memory_space<vmem_shared>>
        tpu.wait_indirect_dma semaphore(%run_scoped3A : memref<!tpu.dma_semaphore, #tpu.memory_space<semaphore_mem>>) src(%arg7 : memref<128x128xf32, #tpu.memory_space<vmem>>) dst(%dma_wait3A_34 : memref<10112x128xf32, #tpu.memory_space<vmem_shared>>)
        tpu.yield
      }) : () -> ()
    }
    %while3A_13 = arith.constant 1 : i32
    scf.for %while3A_24 = %while3A_11 to %while3A_7 step %while3A_13  : i32 {
      "tpu.region"() ({
        %run_scoped3A = tpu.sem_alloc : memref<!tpu.dma_semaphore, #tpu.memory_space<semaphore_mem>>
        %dma_start3A = arith.constant 0 : i32
        %dma_start3A_25 = tpu.memref_slice %arg6[%while3A_24, %dma_start3A] : memref<79x128xi32, #tpu.memory_space<vmem>> -> memref<1x128xi32, #tpu.memory_space<vmem>>
        %dma_start3A_26 = tpu.memref_squeeze %dma_start3A_25 : memref<1x128xi32, #tpu.memory_space<vmem>> -> memref<128xi32, #tpu.memory_space<vmem>>
        %dma_start3A_27 = arith.constant 0 : i32
        %dma_start3A_28 = arith.constant 0 : i32
        %dma_start3A_29 = tpu.memref_slice %arg8[%dma_start3A_27, %dma_start3A_28] : memref<10112x128xf32, #tpu.memory_space<vmem_shared>> -> memref<10112x128xf32, #tpu.memory_space<vmem_shared>>
        tpu.enqueue_indirect_dma source(%arg7 : memref<128x128xf32, #tpu.memory_space<vmem>>) target(%dma_start3A_29 : memref<10112x128xf32, #tpu.memory_space<vmem_shared>>) offsets(%dma_start3A_26 : memref<128xi32, #tpu.memory_space<vmem>>) semaphore(%run_scoped3A : memref<!tpu.dma_semaphore, #tpu.memory_space<semaphore_mem>>) {add = true}
        %dma_wait3A = arith.constant 0 : i32
        %dma_wait3A_30 = tpu.memref_slice %arg6[%while3A_24, %dma_wait3A] : memref<79x128xi32, #tpu.memory_space<vmem>> -> memref<1x128xi32, #tpu.memory_space<vmem>>
        %dma_wait3A_31 = tpu.memref_squeeze %dma_wait3A_30 : memref<1x128xi32, #tpu.memory_space<vmem>> -> memref<128xi32, #tpu.memory_space<vmem>>
        %dma_wait3A_32 = arith.constant 0 : i32
        %dma_wait3A_33 = arith.constant 0 : i32
        %dma_wait3A_34 = tpu.memref_slice %arg8[%dma_wait3A_32, %dma_wait3A_33] : memref<10112x128xf32, #tpu.memory_space<vmem_shared>> -> memref<10112x128xf32, #tpu.memory_space<vmem_shared>>
        tpu.wait_indirect_dma semaphore(%run_scoped3A : memref<!tpu.dma_semaphore, #tpu.memory_space<semaphore_mem>>) src(%arg7 : memref<128x128xf32, #tpu.memory_space<vmem>>) dst(%dma_wait3A_34 : memref<10112x128xf32, #tpu.memory_space<vmem_shared>>)
        tpu.yield
      }) : () -> ()
    }
    %barrier3A_14 = arith.constant 0 : index
    tpu.barrier barrier_id(%barrier3A_14)
    %mul3A_15 = arith.constant 624 : i32
    %mul3A_16 = arith.muli %arg1, %mul3A_15 : i32
    %mul3A_17 = arith.constant 10000 : i32
    %mul3A_18 = arith.muli %arg0, %mul3A_17 : i32
    %mul3A_19 = arith.constant 624 : i32
    %mul3A_20 = arith.muli %arg1, %mul3A_19 : i32
    %add3A_21 = arith.addi %mul3A_18, %mul3A_20 : i32
    "tpu.region"() ({
      %run_scoped3A = tpu.sem_alloc : memref<!tpu.dma_semaphore, #tpu.memory_space<semaphore_mem>>
      %dma_start3A = arith.constant 0 : i32
      %dma_start3A_24 = tpu.memref_slice %arg5[%add3A_21, %dma_start3A] : memref<20000x128xf32, #tpu.memory_space<hbm>> -> memref<624x128xf32, #tpu.memory_space<hbm>>
      %dma_start3A_25 = arith.constant 0 : i32
      %dma_start3A_26 = tpu.memref_slice %arg8[%mul3A_16, %dma_start3A_25] : memref<10112x128xf32, #tpu.memory_space<vmem_shared>> -> memref<624x128xf32, #tpu.memory_space<vmem_shared>>
      tpu.enqueue_dma source(%dma_start3A_26 : memref<624x128xf32, #tpu.memory_space<vmem_shared>>) target(%dma_start3A_24 : memref<624x128xf32, #tpu.memory_space<hbm>>) target_semaphore(%run_scoped3A : memref<!tpu.dma_semaphore, #tpu.memory_space<semaphore_mem>>)
      %dma_wait3A = arith.constant 0 : i32
      %dma_wait3A_27 = tpu.memref_slice %arg5[%add3A_21, %dma_wait3A] : memref<20000x128xf32, #tpu.memory_space<hbm>> -> memref<624x128xf32, #tpu.memory_space<hbm>>
      %dma_wait3A_28 = arith.constant 0 : i32
      %dma_wait3A_29 = tpu.memref_slice %arg8[%mul3A_16, %dma_wait3A_28] : memref<10112x128xf32, #tpu.memory_space<vmem_shared>> -> memref<624x128xf32, #tpu.memory_space<vmem_shared>>
      tpu.wait_dma2 semaphore(%run_scoped3A : memref<!tpu.dma_semaphore, #tpu.memory_space<semaphore_mem>>) src(%dma_wait3A_29 : memref<624x128xf32, #tpu.memory_space<vmem_shared>>) dst(%dma_wait3A_27 : memref<624x128xf32, #tpu.memory_space<hbm>>)
      tpu.yield
    }) : () -> ()
    %eq3A = arith.constant 0 : i32
    %eq3A_22 = arith.cmpi eq, %arg1, %eq3A : i32
    %convert_element_type3A = arith.extui %eq3A_22 : i1 to i32
    %cond3A = arith.constant 0 : i32
    %cond3A_23 = arith.cmpi ne, %convert_element_type3A, %cond3A : i32
    scf.if %cond3A_23 {
      %mul3A_24 = arith.constant 10000 : i32
      %mul3A_25 = arith.muli %arg0, %mul3A_24 : i32
      %add3A_26 = arith.constant 9984 : i32
      %add3A_27 = arith.addi %mul3A_25, %add3A_26 : i32
      "tpu.region"() ({
        %run_scoped3A = tpu.sem_alloc : memref<!tpu.dma_semaphore, #tpu.memory_space<semaphore_mem>>
        %dma_start3A = arith.constant 0 : i32
        %dma_start3A_28 = tpu.memref_slice %arg5[%add3A_27, %dma_start3A] : memref<20000x128xf32, #tpu.memory_space<hbm>> -> memref<16x128xf32, #tpu.memory_space<hbm>>
        %dma_start3A_29 = arith.constant 9984 : i32
        %dma_start3A_30 = arith.constant 0 : i32
        %dma_start3A_31 = tpu.memref_slice %arg8[%dma_start3A_29, %dma_start3A_30] : memref<10112x128xf32, #tpu.memory_space<vmem_shared>> -> memref<16x128xf32, #tpu.memory_space<vmem_shared>>
        tpu.enqueue_dma source(%dma_start3A_31 : memref<16x128xf32, #tpu.memory_space<vmem_shared>>) target(%dma_start3A_28 : memref<16x128xf32, #tpu.memory_space<hbm>>) target_semaphore(%run_scoped3A : memref<!tpu.dma_semaphore, #tpu.memory_space<semaphore_mem>>)
        %dma_wait3A = arith.constant 0 : i32
        %dma_wait3A_32 = tpu.memref_slice %arg5[%add3A_27, %dma_wait3A] : memref<20000x128xf32, #tpu.memory_space<hbm>> -> memref<16x128xf32, #tpu.memory_space<hbm>>
        %dma_wait3A_33 = arith.constant 9984 : i32
        %dma_wait3A_34 = arith.constant 0 : i32
        %dma_wait3A_35 = tpu.memref_slice %arg8[%dma_wait3A_33, %dma_wait3A_34] : memref<10112x128xf32, #tpu.memory_space<vmem_shared>> -> memref<16x128xf32, #tpu.memory_space<vmem_shared>>
        tpu.wait_dma2 semaphore(%run_scoped3A : memref<!tpu.dma_semaphore, #tpu.memory_space<semaphore_mem>>) src(%dma_wait3A_35 : memref<16x128xf32, #tpu.memory_space<vmem_shared>>) dst(%dma_wait3A_32 : memref<16x128xf32, #tpu.memory_space<hbm>>)
        tpu.yield
      }) : () -> ()
    } else {
    }
    return
  }
}

module attributes {stable_mosaic.version = 14 : i64} {
  func.func @_mm_raw_body(%arg0: i32, %arg1: i32, %arg2: memref<128x256xf32, #tpu.memory_space<vmem>>, %arg3: memref<256x128xf32, #tpu.memory_space<vmem>>, %arg4: memref<1x128x128xf32, #tpu.memory_space<vmem>>) attributes {dimension_semantics = [#tpu.dimension_semantics<arbitrary>, #tpu.dimension_semantics<arbitrary>], iteration_bounds = array<i64: 79, 2>, scalar_prefetch = 0 : i64, scratch_operands = 0 : i64, tpu.core_type = #tpu.core_type<tc>, window_params = [{transform_indices = @transform_0, window_bounds = array<i64: 128, 256>}, {transform_indices = @transform_1, window_bounds = array<i64: 256, 128>}, {transform_indices = @transform_2, window_bounds = array<i64: 1, 128, 128>}]} {
    %get3A = arith.constant 0 : index
    %get3A_0 = arith.constant 0 : index
    %get3A_1 = vector.load %arg2[%get3A, %get3A_0] : memref<128x256xf32, #tpu.memory_space<vmem>>, vector<128x256xf32>
    %get3A_2 = arith.constant 0 : index
    %get3A_3 = arith.constant 0 : index
    %get3A_4 = vector.load %arg3[%get3A_2, %get3A_3] : memref<256x128xf32, #tpu.memory_space<vmem>>, vector<256x128xf32>
    %dot_general3A = arith.constant dense<0.000000e+00> : vector<128x128xf32>
    %dot_general3A_5 = tpu.matmul %get3A_1, %get3A_4, %dot_general3A {dimension_numbers = #tpu.dot_dimension_numbers<[1], [0], [0], [1], [0, 0, 1, 1], [], []>, transpose_lhs_hint = false} : vector<128x256xf32>, vector<256x128xf32>, vector<128x128xf32> -> vector<128x128xf32>
    %broadcast_in_dim3A = vector.shape_cast %dot_general3A_5 : vector<128x128xf32> to vector<1x128x128xf32>
    %swap3A = arith.constant 0 : index
    %swap3A_6 = arith.constant 0 : index
    %swap3A_7 = arith.constant 0 : index
    %swap3A_8 = vector.load %arg4[%swap3A, %swap3A_6, %swap3A_7] : memref<1x128x128xf32, #tpu.memory_space<vmem>>, vector<1x128x128xf32>
    tpu.vector_store %arg4[%swap3A, %swap3A_6, %swap3A_7], %broadcast_in_dim3A {strides = array<i32>} : memref<1x128x128xf32, #tpu.memory_space<vmem>>, vector<1x128x128xf32>,
    return
  }
  func.func @transform_0(%arg0: i32, %arg1: i32) -> (i32, i32) {
    %c0_i32 = arith.constant 0 : i32
    %c0_i32_0 = arith.constant 0 : i32
    return %arg0, %c0_i32 : i32, i32
  }
  func.func @transform_1(%arg0: i32, %arg1: i32) -> (i32, i32) {
    %c0_i32 = arith.constant 0 : i32
    %c0_i32_0 = arith.constant 0 : i32
    return %c0_i32, %arg1 : i32, i32
  }
  func.func @transform_2(%arg0: i32, %arg1: i32) -> (i32, i32, i32) {
    %c0_i32 = arith.constant 0 : i32
    %c0_i32_0 = arith.constant 0 : i32
    return %arg1, %arg0, %c0_i32 : i32, i32, i32
  }
}

module attributes {stable_mosaic.version = 14 : i64} {
  func.func @_scale_body(%arg0: i32, %arg1: i32, %arg2: memref<1x128x128xf32, #tpu.memory_space<vmem>>, %arg3: memref<2x128x128xf32, #tpu.memory_space<vmem>>, %arg4: memref<1x128x128xf32, #tpu.memory_space<vmem>>) attributes {dimension_semantics = [#tpu.dimension_semantics<arbitrary>, #tpu.dimension_semantics<arbitrary>], iteration_bounds = array<i64: 79, 2>, scalar_prefetch = 0 : i64, scratch_operands = 0 : i64, tpu.core_type = #tpu.core_type<tc>, window_params = [{transform_indices = @transform_0, window_bounds = array<i64: 1, 128, 128>}, {transform_indices = @transform_1, window_bounds = array<i64: 2, 128, 128>}, {transform_indices = @transform_2, window_bounds = array<i64: 1, 128, 128>}]} {
    %get3A = arith.constant 0 : index
    %get3A_0 = arith.constant 0 : index
    %get3A_1 = arith.constant 0 : index
    %get3A_2 = vector.load %arg2[%get3A, %get3A_0, %get3A_1] : memref<1x128x128xf32, #tpu.memory_space<vmem>>, vector<1x128x128xf32>
    %get3A_3 = vector.shape_cast %get3A_2 : vector<1x128x128xf32> to vector<128x128xf32>
    %get3A_4 = arith.constant 0 : index
    %get3A_5 = arith.constant 0 : index
    %get3A_6 = arith.constant 0 : index
    %get3A_7 = vector.load %arg3[%get3A_4, %get3A_5, %get3A_6] : memref<2x128x128xf32, #tpu.memory_space<vmem>>, vector<1x128x128xf32>
    %get3A_8 = vector.shape_cast %get3A_7 : vector<1x128x128xf32> to vector<128x128xf32>
    %slice3A = vector.extract_strided_slice %get3A_8 {offsets = [0, 0], sizes = [128, 1], strides = [1, 1]} : vector<128x128xf32> to vector<128x1xf32>
    %get3A_9 = arith.constant 1 : index
    %get3A_10 = arith.constant 0 : index
    %get3A_11 = arith.constant 0 : index
    %get3A_12 = vector.load %arg3[%get3A_9, %get3A_10, %get3A_11] : memref<2x128x128xf32, #tpu.memory_space<vmem>>, vector<1x128x128xf32>
    %get3A_13 = vector.shape_cast %get3A_12 : vector<1x128x128xf32> to vector<128x128xf32>
    %slice3A_14 = vector.extract_strided_slice %get3A_13 {offsets = [0, 0], sizes = [128, 1], strides = [1, 1]} : vector<128x128xf32> to vector<128x1xf32>
    %add3A = arith.addf %slice3A, %slice3A_14 : vector<128x1xf32>
    %add3A_15 = arith.constant 1.000000e+00 : f32
    %add3A_16 = vector.broadcast %add3A_15 : f32 to vector<128x1xf32>
    %add3A_17 = arith.addf %add3A, %add3A_16 : vector<128x1xf32>
    %rsqrt3A = math.rsqrt %add3A_17 : vector<128x1xf32>
    %mul3A = vector.broadcast %rsqrt3A : vector<128x1xf32> to vector<128x128xf32>
    %mul3A_18 = arith.mulf %get3A_3, %mul3A : vector<128x128xf32>
    %broadcast_in_dim3A = vector.shape_cast %mul3A_18 : vector<128x128xf32> to vector<1x128x128xf32>
    %swap3A = arith.constant 0 : index
    %swap3A_19 = arith.constant 0 : index
    %swap3A_20 = arith.constant 0 : index
    %swap3A_21 = vector.load %arg4[%swap3A, %swap3A_19, %swap3A_20] : memref<1x128x128xf32, #tpu.memory_space<vmem>>, vector<1x128x128xf32>
    tpu.vector_store %arg4[%swap3A, %swap3A_19, %swap3A_20], %broadcast_in_dim3A {strides = array<i32>} : memref<1x128x128xf32, #tpu.memory_space<vmem>>, vector<1x128x128xf32>,
    return
  }
  func.func @transform_0(%arg0: i32, %arg1: i32) -> (i32, i32, i32) {
    %c0_i32 = arith.constant 0 : i32
    %c0_i32_0 = arith.constant 0 : i32
    return %arg1, %arg0, %c0_i32 : i32, i32, i32
  }
  func.func @transform_1(%arg0: i32, %arg1: i32) -> (i32, i32, i32) {
    %c0_i32 = arith.constant 0 : i32
    %c0_i32_0 = arith.constant 0 : i32
    %c0_i32_1 = arith.constant 0 : i32
    return %c0_i32, %arg0, %c0_i32_0 : i32, i32, i32
  }
  func.func @transform_2(%arg0: i32, %arg1: i32) -> (i32, i32, i32) {
    %c0_i32 = arith.constant 0 : i32
    %c0_i32_0 = arith.constant 0 : i32
    return %arg1, %arg0, %c0_i32 : i32, i32, i32
  }
}

module attributes {stable_mosaic.version = 14 : i64} {
  func.func @_mid_body(%arg0: i32, %arg1: i32, %arg2: memref<2x128x128xf32, #tpu.memory_space<vmem>>, %arg3: memref<2x128x128xf32, #tpu.memory_space<vmem>>, %arg4: memref<2x128x128xf32, #tpu.memory_space<vmem>>, %arg5: memref<1x256xf32, #tpu.memory_space<vmem>>, %arg6: memref<256x128xf32, #tpu.memory_space<vmem>>, %arg7: memref<1x128x128xf32, #tpu.memory_space<vmem>>) attributes {dimension_semantics = [#tpu.dimension_semantics<arbitrary>, #tpu.dimension_semantics<arbitrary>], iteration_bounds = array<i64: 79, 2>, scalar_prefetch = 0 : i64, scratch_operands = 0 : i64, tpu.core_type = #tpu.core_type<tc>, window_params = [{transform_indices = @transform_0, window_bounds = array<i64: 2, 128, 128>}, {transform_indices = @transform_1, window_bounds = array<i64: 2, 128, 128>}, {transform_indices = @transform_2, window_bounds = array<i64: 2, 128, 128>}, {pipeline_mode = #tpu.pipeline_mode<synchronous>, transform_indices = @transform_3, window_bounds = array<i64: 1, 256>}, {transform_indices = @transform_4, window_bounds = array<i64: 256, 128>}, {transform_indices = @transform_5, window_bounds = array<i64: 1, 128, 128>}]} {
    %get3A = arith.constant 0 : index
    %get3A_0 = arith.constant 0 : index
    %get3A_1 = arith.constant 0 : index
    %get3A_2 = vector.load %arg4[%get3A, %get3A_0, %get3A_1] : memref<2x128x128xf32, #tpu.memory_space<vmem>>, vector<1x128x128xf32>
    %get3A_3 = vector.shape_cast %get3A_2 : vector<1x128x128xf32> to vector<128x128xf32>
    %slice3A = vector.extract_strided_slice %get3A_3 {offsets = [0, 0], sizes = [128, 1], strides = [1, 1]} : vector<128x128xf32> to vector<128x1xf32>
    %get3A_4 = arith.constant 1 : index
    %get3A_5 = arith.constant 0 : index
    %get3A_6 = arith.constant 0 : index
    %get3A_7 = vector.load %arg4[%get3A_4, %get3A_5, %get3A_6] : memref<2x128x128xf32, #tpu.memory_space<vmem>>, vector<1x128x128xf32>
    %get3A_8 = vector.shape_cast %get3A_7 : vector<1x128x128xf32> to vector<128x128xf32>
    %slice3A_9 = vector.extract_strided_slice %get3A_8 {offsets = [0, 0], sizes = [128, 1], strides = [1, 1]} : vector<128x128xf32> to vector<128x1xf32>
    %add3A = arith.addf %slice3A, %slice3A_9 : vector<128x1xf32>
    %add3A_10 = arith.constant 1.000000e+00 : f32
    %add3A_11 = vector.broadcast %add3A_10 : f32 to vector<128x1xf32>
    %add3A_12 = arith.addf %add3A, %add3A_11 : vector<128x1xf32>
    %rsqrt3A = math.rsqrt %add3A_12 : vector<128x1xf32>
    %get3A_13 = arith.constant 0 : index
    %get3A_14 = arith.constant 0 : index
    %get3A_15 = arith.constant 0 : index
    %get3A_16 = vector.load %arg2[%get3A_13, %get3A_14, %get3A_15] : memref<2x128x128xf32, #tpu.memory_space<vmem>>, vector<1x128x128xf32>
    %get3A_17 = vector.shape_cast %get3A_16 : vector<1x128x128xf32> to vector<128x128xf32>
    %get3A_18 = arith.constant 0 : index
    %get3A_19 = arith.constant 0 : index
    %get3A_20 = arith.constant 0 : index
    %get3A_21 = vector.load %arg3[%get3A_18, %get3A_19, %get3A_20] : memref<2x128x128xf32, #tpu.memory_space<vmem>>, vector<1x128x128xf32>
    %get3A_22 = vector.shape_cast %get3A_21 : vector<1x128x128xf32> to vector<128x128xf32>
    %add3A_23 = arith.addf %get3A_17, %get3A_22 : vector<128x128xf32>
    %get3A_24 = arith.constant 1 : index
    %get3A_25 = arith.constant 0 : index
    %get3A_26 = arith.constant 0 : index
    %get3A_27 = vector.load %arg2[%get3A_24, %get3A_25, %get3A_26] : memref<2x128x128xf32, #tpu.memory_space<vmem>>, vector<1x128x128xf32>
    %get3A_28 = vector.shape_cast %get3A_27 : vector<1x128x128xf32> to vector<128x128xf32>
    %get3A_29 = arith.constant 1 : index
    %get3A_30 = arith.constant 0 : index
    %get3A_31 = arith.constant 0 : index
    %get3A_32 = vector.load %arg3[%get3A_29, %get3A_30, %get3A_31] : memref<2x128x128xf32, #tpu.memory_space<vmem>>, vector<1x128x128xf32>
    %get3A_33 = vector.shape_cast %get3A_32 : vector<1x128x128xf32> to vector<128x128xf32>
    %add3A_34 = arith.addf %get3A_28, %get3A_33 : vector<128x128xf32>
    %concatenate3A = tpu.concatenate %add3A_23, %add3A_34 in 1 : vector<128x128xf32>, vector<128x128xf32> -> vector<128x256xf32>
    %mul3A = vector.broadcast %rsqrt3A : vector<128x1xf32> to vector<128x256xf32>
    %mul3A_35 = arith.mulf %mul3A, %concatenate3A : vector<128x256xf32>
    %get3A_36 = arith.constant 0 : index
    %get3A_37 = arith.constant 0 : index
    %get3A_38 = vector.load %arg5[%get3A_36, %get3A_37] : memref<1x256xf32, #tpu.memory_space<vmem>>, vector<1x256xf32>
    %add3A_39 = vector.broadcast %get3A_38 : vector<1x256xf32> to vector<128x256xf32>
    %add3A_40 = arith.addf %mul3A_35, %add3A_39 : vector<128x256xf32>
    %max3A = arith.constant 0.000000e+00 : f32
    %max3A_41 = vector.broadcast %max3A : f32 to vector<128x256xf32>
    %max3A_42 = arith.maximumf %add3A_40, %max3A_41 : vector<128x256xf32>
    %get3A_43 = arith.constant 0 : index
    %get3A_44 = arith.constant 0 : index
    %get3A_45 = vector.load %arg6[%get3A_43, %get3A_44] : memref<256x128xf32, #tpu.memory_space<vmem>>, vector<256x128xf32>
    %dot_general3A = arith.constant dense<0.000000e+00> : vector<128x128xf32>
    %dot_general3A_46 = tpu.matmul %max3A_42, %get3A_45, %dot_general3A {dimension_numbers = #tpu.dot_dimension_numbers<[1], [0], [0], [1], [0, 0, 1, 1], [], []>, transpose_lhs_hint = false} : vector<128x256xf32>, vector<256x128xf32>, vector<128x128xf32> -> vector<128x128xf32>
    %mul3A_47 = vector.broadcast %rsqrt3A : vector<128x1xf32> to vector<128x128xf32>
    %mul3A_48 = arith.mulf %dot_general3A_46, %mul3A_47 : vector<128x128xf32>
    %broadcast_in_dim3A = vector.shape_cast %mul3A_48 : vector<128x128xf32> to vector<1x128x128xf32>
    %swap3A = arith.constant 0 : index
    %swap3A_49 = arith.constant 0 : index
    %swap3A_50 = arith.constant 0 : index
    %swap3A_51 = vector.load %arg7[%swap3A, %swap3A_49, %swap3A_50] : memref<1x128x128xf32, #tpu.memory_space<vmem>>, vector<1x128x128xf32>
    tpu.vector_store %arg7[%swap3A, %swap3A_49, %swap3A_50], %broadcast_in_dim3A {strides = array<i32>} : memref<1x128x128xf32, #tpu.memory_space<vmem>>, vector<1x128x128xf32>,
    return
  }
  func.func @transform_0(%arg0: i32, %arg1: i32) -> (i32, i32, i32) {
    %c0_i32 = arith.constant 0 : i32
    %c0_i32_0 = arith.constant 0 : i32
    %c0_i32_1 = arith.constant 0 : i32
    return %c0_i32, %arg0, %c0_i32_0 : i32, i32, i32
  }
  func.func @transform_1(%arg0: i32, %arg1: i32) -> (i32, i32, i32) {
    %c0_i32 = arith.constant 0 : i32
    %c0_i32_0 = arith.constant 0 : i32
    %c0_i32_1 = arith.constant 0 : i32
    return %c0_i32, %arg0, %c0_i32_0 : i32, i32, i32
  }
  func.func @transform_2(%arg0: i32, %arg1: i32) -> (i32, i32, i32) {
    %c0_i32 = arith.constant 0 : i32
    %c0_i32_0 = arith.constant 0 : i32
    %c0_i32_1 = arith.constant 0 : i32
    return %c0_i32, %arg0, %c0_i32_0 : i32, i32, i32
  }
  func.func @transform_3(%arg0: i32, %arg1: i32) -> (i32, i32) {
    %c0_i32 = arith.constant 0 : i32
    %c0_i32_0 = arith.constant 0 : i32
    %c0_i32_1 = arith.constant 0 : i32
    return %c0_i32, %c0_i32_0 : i32, i32
  }
  func.func @transform_4(%arg0: i32, %arg1: i32) -> (i32, i32) {
    %c0_i32 = arith.constant 0 : i32
    %c0_i32_0 = arith.constant 0 : i32
    return %c0_i32, %arg1 : i32, i32
  }
  func.func @transform_5(%arg0: i32, %arg1: i32) -> (i32, i32, i32) {
    %c0_i32 = arith.constant 0 : i32
    %c0_i32_0 = arith.constant 0 : i32
    return %arg1, %arg0, %c0_i32 : i32, i32, i32
  }
}

module attributes {stable_mosaic.version = 14 : i64} {
  func.func @_out_body(%arg0: i32, %arg1: memref<2x128x128xf32, #tpu.memory_space<vmem>>, %arg2: memref<2x128x128xf32, #tpu.memory_space<vmem>>, %arg3: memref<2x128x128xf32, #tpu.memory_space<vmem>>, %arg4: memref<1x256xf32, #tpu.memory_space<vmem>>, %arg5: memref<128x256xf32, #tpu.memory_space<vmem>>) attributes {dimension_semantics = [#tpu.dimension_semantics<arbitrary>], iteration_bounds = array<i64: 79>, scalar_prefetch = 0 : i64, scratch_operands = 0 : i64, tpu.core_type = #tpu.core_type<tc>, window_params = [{transform_indices = @transform_0, window_bounds = array<i64: 2, 128, 128>}, {transform_indices = @transform_1, window_bounds = array<i64: 2, 128, 128>}, {transform_indices = @transform_2, window_bounds = array<i64: 2, 128, 128>}, {pipeline_mode = #tpu.pipeline_mode<synchronous>, transform_indices = @transform_3, window_bounds = array<i64: 1, 256>}, {transform_indices = @transform_4, window_bounds = array<i64: 128, 256>}]} {
    %get3A = arith.constant 0 : index
    %get3A_0 = arith.constant 0 : index
    %get3A_1 = arith.constant 0 : index
    %get3A_2 = vector.load %arg3[%get3A, %get3A_0, %get3A_1] : memref<2x128x128xf32, #tpu.memory_space<vmem>>, vector<1x128x128xf32>
    %get3A_3 = vector.shape_cast %get3A_2 : vector<1x128x128xf32> to vector<128x128xf32>
    %slice3A = vector.extract_strided_slice %get3A_3 {offsets = [0, 0], sizes = [128, 1], strides = [1, 1]} : vector<128x128xf32> to vector<128x1xf32>
    %get3A_4 = arith.constant 1 : index
    %get3A_5 = arith.constant 0 : index
    %get3A_6 = arith.constant 0 : index
    %get3A_7 = vector.load %arg3[%get3A_4, %get3A_5, %get3A_6] : memref<2x128x128xf32, #tpu.memory_space<vmem>>, vector<1x128x128xf32>
    %get3A_8 = vector.shape_cast %get3A_7 : vector<1x128x128xf32> to vector<128x128xf32>
    %slice3A_9 = vector.extract_strided_slice %get3A_8 {offsets = [0, 0], sizes = [128, 1], strides = [1, 1]} : vector<128x128xf32> to vector<128x1xf32>
    %add3A = arith.addf %slice3A, %slice3A_9 : vector<128x1xf32>
    %add3A_10 = arith.constant 1.000000e+00 : f32
    %add3A_11 = vector.broadcast %add3A_10 : f32 to vector<128x1xf32>
    %add3A_12 = arith.addf %add3A, %add3A_11 : vector<128x1xf32>
    %rsqrt3A = math.rsqrt %add3A_12 : vector<128x1xf32>
    %get3A_13 = arith.constant 0 : index
    %get3A_14 = arith.constant 0 : index
    %get3A_15 = arith.constant 0 : index
    %get3A_16 = vector.load %arg1[%get3A_13, %get3A_14, %get3A_15] : memref<2x128x128xf32, #tpu.memory_space<vmem>>, vector<1x128x128xf32>
    %get3A_17 = vector.shape_cast %get3A_16 : vector<1x128x128xf32> to vector<128x128xf32>
    %get3A_18 = arith.constant 0 : index
    %get3A_19 = arith.constant 0 : index
    %get3A_20 = arith.constant 0 : index
    %get3A_21 = vector.load %arg2[%get3A_18, %get3A_19, %get3A_20] : memref<2x128x128xf32, #tpu.memory_space<vmem>>, vector<1x128x128xf32>
    %get3A_22 = vector.shape_cast %get3A_21 : vector<1x128x128xf32> to vector<128x128xf32>
    %add3A_23 = arith.addf %get3A_17, %get3A_22 : vector<128x128xf32>
    %get3A_24 = arith.constant 1 : index
    %get3A_25 = arith.constant 0 : index
    %get3A_26 = arith.constant 0 : index
    %get3A_27 = vector.load %arg1[%get3A_24, %get3A_25, %get3A_26] : memref<2x128x128xf32, #tpu.memory_space<vmem>>, vector<1x128x128xf32>
    %get3A_28 = vector.shape_cast %get3A_27 : vector<1x128x128xf32> to vector<128x128xf32>
    %get3A_29 = arith.constant 1 : index
    %get3A_30 = arith.constant 0 : index
    %get3A_31 = arith.constant 0 : index
    %get3A_32 = vector.load %arg2[%get3A_29, %get3A_30, %get3A_31] : memref<2x128x128xf32, #tpu.memory_space<vmem>>, vector<1x128x128xf32>
    %get3A_33 = vector.shape_cast %get3A_32 : vector<1x128x128xf32> to vector<128x128xf32>
    %add3A_34 = arith.addf %get3A_28, %get3A_33 : vector<128x128xf32>
    %concatenate3A = tpu.concatenate %add3A_23, %add3A_34 in 1 : vector<128x128xf32>, vector<128x128xf32> -> vector<128x256xf32>
    %mul3A = vector.broadcast %rsqrt3A : vector<128x1xf32> to vector<128x256xf32>
    %mul3A_35 = arith.mulf %mul3A, %concatenate3A : vector<128x256xf32>
    %get3A_36 = arith.constant 0 : index
    %get3A_37 = arith.constant 0 : index
    %get3A_38 = vector.load %arg4[%get3A_36, %get3A_37] : memref<1x256xf32, #tpu.memory_space<vmem>>, vector<1x256xf32>
    %add3A_39 = vector.broadcast %get3A_38 : vector<1x256xf32> to vector<128x256xf32>
    %add3A_40 = arith.addf %mul3A_35, %add3A_39 : vector<128x256xf32>
    %swap3A = arith.constant 0 : index
    %swap3A_41 = arith.constant 0 : index
    %swap3A_42 = vector.load %arg5[%swap3A, %swap3A_41] : memref<128x256xf32, #tpu.memory_space<vmem>>, vector<128x256xf32>
    tpu.vector_store %arg5[%swap3A, %swap3A_41], %add3A_40 {strides = array<i32>} : memref<128x256xf32, #tpu.memory_space<vmem>>, vector<128x256xf32>,
    return
  }
  func.func @transform_0(%arg0: i32) -> (i32, i32, i32) {
    %c0_i32 = arith.constant 0 : i32
    %c0_i32_0 = arith.constant 0 : i32
    %c0_i32_1 = arith.constant 0 : i32
    return %c0_i32, %arg0, %c0_i32_0 : i32, i32, i32
  }
  func.func @transform_1(%arg0: i32) -> (i32, i32, i32) {
    %c0_i32 = arith.constant 0 : i32
    %c0_i32_0 = arith.constant 0 : i32
    %c0_i32_1 = arith.constant 0 : i32
    return %c0_i32, %arg0, %c0_i32_0 : i32, i32, i32
  }
  func.func @transform_2(%arg0: i32) -> (i32, i32, i32) {
    %c0_i32 = arith.constant 0 : i32
    %c0_i32_0 = arith.constant 0 : i32
    %c0_i32_1 = arith.constant 0 : i32
    return %c0_i32, %arg0, %c0_i32_0 : i32, i32, i32
  }
  func.func @transform_3(%arg0: i32) -> (i32, i32) {
    %c0_i32 = arith.constant 0 : i32
    %c0_i32_0 = arith.constant 0 : i32
    %c0_i32_1 = arith.constant 0 : i32
    return %c0_i32, %c0_i32_0 : i32, i32
  }
  func.func @transform_4(%arg0: i32) -> (i32, i32) {
    %c0_i32 = arith.constant 0 : i32
    %c0_i32_0 = arith.constant 0 : i32
    return %arg0, %c0_i32 : i32, i32
  }
}

</mosaic_0001>

<sc_bundles>
// kernel: kernel.12.cloned.1.call-start
scs
__scs_entry_jumppad:
0x0: {  	(pc) =	sbr.rel $0x88, $3  }
0x1: {  	(tag) =	ssettag $0x0;
	lr =	simm.s32 $0x1  }
0x2: {  	[smem:$0x3F9B] =	sst lr;
	_ =	strace $0xD0000000  }
0x3: {  	_ = 	snop  }
0x4: {  	_ = 	snop  }
0x5: {  	_ = 	snop  }
0x6: {  	_ = 	snop  }
0x7: {  	_ = 	snop  }
__scs_overlays_trampoline_lowered:
0x8: {  	[smem:$0x3FAA] =	sst s0  }
0x9: {  	[smem:$0x3FAB] =	sst s1  }
0xa: {  	[smem:$0x3FAC] =	sst s2  }
0xb: {  	[smem:$0x3FAD] =	sst s3  }
0xc: {  	[smem:$0x3FAE] =	sst s4  }
0xd: {  	[smem:$0x3FAF] =	sst s5  }
0xe: {  	[smem:$0x3FB0] =	sst s6  }
0xf: {  	[smem:$0x3FB1] =	sst s7  }
0x10: {  	[smem:$0x3FB2] =	sst s8  }
0x11: {  	[smem:$0x3FB3] =	sst s9;
	s0 =	simm.s32 @!p0 $0x0  }
0x12: {  	s1 =	sld [smem:$0x3F99];
	s0 =	simm.s32 @p0 $0x1  }
0x13: {  	[smem:$0x3FB4] =	sst s0;
	s0 =	simm.s32 @!p1 $0x0  }
0x14: {  	s2 =	sld [smem:$0x3F98];
	s0 =	simm.s32 @p1 $0x1  }
0x15: {  	[smem:$0x3FB5] =	sst s0;
	s0 =	simm.s32 @!p2 $0x0  }
0x16: {  	s3 =	sld [smem:$0x3FDB];
	s0 =	simm.s32 @p2 $0x1  }
0x17: {  	s4 =	simm.s32 $0x1BF5;
	[smem:$0x3FB7] =	sst s0  }
0x18: {  	s0 =	sld [smem:$0x3F9A];
	_ =	swait.ge [sflag:s4], $0x0  }
0x19: {  	s7 =	sld [smem:$0x3F9B]  }
0x1a: {  	s8 =	sadd.s32 $0xFFFFE003, lr  }
0x1b: {  	s9 =	sadd.s32 $0xFFFFFEF7, lr;
	s5 =	simm.s32 $0xFFFFFFFF;
	p2 =	slt.u32 s8, $0xFFFFF086  }
0x1c: {  	p1 =	slt.u32 s9, $0xF7A;
	s5 =	simm.s32 @!p2 $0x0  }
0x1d: {  	s5 =	simm.s32 @p1 $0x1;
	p0 =	seq.s32 s7, s2  }
0x1e: {  	s7 =	smul.u32 @!p0 $0xF7A, s2;
	p2 =	seq.s32 @!p0 s5, $0x0  }
0x1f: {  	s9 =	smul.u32 $0xF7A, s1;
	s8 =	simm.s32 @!p0 $0x1BF5;
	p2 =	por !p2, p0  }
0x20: {  	[sflag:s8] =	ssyncset.s32 @!p0 $0xFFFFF086;
	s6 =	sadd.s32 @!p0 s3, s7;
	s7 =	simm.s32 @!p0 $0x108  }
0x21: {  	s3 =	sadd.s32 s3, s9;
	s6 =	sadd.s32 @!p0 $0x88, s6;
	s7 =	simm.s32 @p2 $0x1082  }
0x22: {  	[simem:s7], [sflag:s8] =	dma.local @!p0 [hbm:s6], $0xF7A  }
0x23: {  	s9 =	sor.u32 $0xD0000000, s2;
	s6 =	simm.s32 $0x108;
	_ =	swait.ge @!p0 [sflag:s8], $0x0  }
0x24: {  	s3 =	sadd.s32 $0x88, s3;
	s6 =	simm.s32 @!p1 $0x1082;
	[sflag:s4] =	ssyncset.s32 $0xFFFFF086  }
0x25: {  	[simem:s6], [sflag:s4] =	dma.local [hbm:s3], $0xF7A  }
0x26: {  	[smem:$0x3F9B] =	sst s1;
	(tag) =	ssettag s2;
	_ =	strace s9  }
0x27: {  	s1 =	sld [smem:$0x3FAB]  }
0x28: {  	s2 =	sld [smem:$0x3FAC]  }
0x29: {  	s4 =	sld [smem:$0x3FAE]  }
0x2a: {  	p0 =	seq.s32 s5, $0x0;
	s5 =	sld [smem:$0x3FAF]  }
0x2b: {  	s6 =	sld [smem:$0x3FB0]  }
0x2c: {  	s7 =	sld [smem:$0x3FB1]  }
0x2d: {  	s3 =	simm.s32 $0x108;
	s8 =	sld [smem:$0x3FB2]  }
0x2e: {  	s3 =	simm.s32 @!p0 $0x1082;
	s9 =	sld [smem:$0x3FB3]  }
0x2f: {  	lr =	sadd.s32 s0, s3;
	s0 =	sld [smem:$0x3FAA]  }
0x30: {  	s3 =	sld [smem:$0x3FAD]  }
0x31: {  	[smem:$0x3FB6] =	sst s10  }
0x32: {  	s10 =	sld [smem:$0x3FB4];
	_ =	sdelay $0x3  }
0x33: {  	p0 =	seq.s32 s10, $0x1;
	s10 =	sld [smem:$0x3FB6];
	_ =	sdelay $0x3  }
0x34: {  	[smem:$0x3FB6] =	sst s10  }
0x35: {  	s10 =	sld [smem:$0x3FB5];
	_ =	sdelay $0x3  }
0x36: {  	p1 =	seq.s32 s10, $0x1;
	s10 =	sld [smem:$0x3FB6];
	_ =	sdelay $0x3  }
0x37: {  	[smem:$0x3FB6] =	sst s10  }
0x38: {  	s10 =	sld [smem:$0x3FB7]  }
0x39: {  	_ = 	snop;
	(pc) =	sbr.ind lr, $3  }
0x3a: {  	_ = 	snop  }
0x3b: {  	_ = 	snop  }
0x3c: {  	p2 =	seq.s32 s10, $0x1;
	s10 =	sld [smem:$0x3FB6]  }
0x3d: {  	_ =	shalt  }
0x3e: {  	_ =	shalt  }
0x3f: {  	_ =	shalt  }
0x40: {  	_ =	shalt  }
0x41: {  	_ =	shalt  }
0x42: {  	_ =	shalt  }
0x43: {  	_ =	shalt  }
0x44: {  	_ =	shalt  }
0x45: {  	_ =	shalt  }
0x46: {  	_ =	shalt  }
0x47: {  	_ =	shalt  }
0x48: {  	_ =	shalt  }
0x49: {  	_ =	shalt  }
0x4a: {  	_ =	shalt  }
0x4b: {  	_ =	shalt  }
0x4c: {  	_ =	shalt  }
0x4d: {  	_ =	shalt  }
0x4e: {  	_ =	shalt  }
0x4f: {  	_ =	shalt  }
0x50: {  	_ =	shalt  }
0x51: {  	_ =	shalt  }
0x52: {  	_ =	shalt  }
0x53: {  	_ =	shalt  }
0x54: {  	_ =	shalt  }
0x55: {  	_ =	shalt  }
0x56: {  	_ =	shalt  }
0x57: {  	_ =	shalt  }
0x58: {  	_ =	shalt  }
0x59: {  	_ =	shalt  }
0x5a: {  	_ =	shalt  }
0x5b: {  	_ =	shalt  }
0x5c: {  	_ =	shalt  }
0x5d: {  	_ =	shalt  }
0x5e: {  	_ =	shalt  }
0x5f: {  	_ =	shalt  }
0x60: {  	_ =	shalt  }
0x61: {  	_ =	shalt  }
0x62: {  	_ =	shalt  }
0x63: {  	_ =	shalt  }
0x64: {  	_ =	shalt  }
0x65: {  	_ =	shalt  }
0x66: {  	_ =	shalt  }
0x67: {  	_ =	shalt  }
0x68: {  	_ =	shalt  }
0x69: {  	_ =	shalt  }
0x6a: {  	_ =	shalt  }
0x6b: {  	_ =	shalt  }
0x6c: {  	_ =	shalt  }
0x6d: {  	_ =	shalt  }
0x6e: {  	_ =	shalt  }
0x6f: {  	_ =	shalt  }
0x70: {  	_ =	shalt  }
0x71: {  	_ =	shalt  }
0x72: {  	_ =	shalt  }
0x73: {  	_ =	shalt  }
0x74: {  	_ =	shalt  }
0x75: {  	_ =	shalt  }
0x76: {  	_ =	shalt  }
0x77: {  	_ =	shalt  }
0x78: {  	_ =	shalt  }
0x79: {  	_ =	shalt  }
0x7a: {  	_ =	shalt  }
0x7b: {  	_ =	shalt  }
0x7c: {  	_ =	shalt  }
0x7d: {  	_ =	shalt  }
0x7e: {  	_ =	shalt  }
0x7f: {  	_ =	shalt  }
0x80: {  	_ =	shalt  }
0x81: {  	_ =	shalt  }
0x82: {  	_ =	shalt  }
0x83: {  	_ =	shalt  }
0x84: {  	_ =	shalt  }
0x85: {  	_ =	shalt  }
0x86: {  	_ =	shalt  }
0x87: {  	_ =	shalt  }
.Lfunc_end0:
.L_simem_size_0:
called_computation.1_lowered:
.L_overlay_start_0:
0x88: {  	s2 =	sld [smem:$0x3FD9]  }
0x89: {  	s3 =	sld [smem:$0x3FFE];
	_ =	sdelay $0x1  }
0x8a: {  	s1 =	srdreg.scid  }
0x8b: {  	s0 =	sand.u32 $0x1, s1  }
0x8c: {  	s17 =	sshll.u32 s0, $0xA;
	s2 =	sadd.s32 s3, s2  }
0x8d: {  	s2 =	sadd.s32 s2, s17  }
0x8e: {  	[smem:$0x3FC2] =	sst s2  }
0x8f: {  	_ = 	snop  }
0x90: {  	s2 =	sld [smem:$0x3FD0];
	(tm) =	ssettm $0x1  }
0x91: {  	s18 =	sld [smem:$0x3FFB];
	_ =	sdelay $0x3  }
0x92: {  	_ =	strace s18  }
0x93: {  	s3 =	sld [smem:$0x3FFC];
	_ =	sdelay $0x3  }
0x94: {  	_ =	strace s3  }
0x95: {  	s3 =	sld [smem:$0x3FFD];
	_ =	sdelay $0x3  }
0x96: {  	_ =	strace s3  }
0x97: {  	_ =	strace $0x8FFFFFFF  }
0x98: {  	s19 =	sld [smem:$0x3FDB];
	_ =	sdelay $0x1  }
0x99: {  	s4 =	simm.s32 $_scs_section_size  }
0x9a: {  	s5 =	simm.s32 $_size__tile_overlayer_lowered;
	s6 =	simm.s32 $_tile_overlayer_lowered  }
0x9b: {  	s22 =	simm.s32 $0x1BFF;
	s21 =	sshll.u32 s6, $0x1;
	s3 =	sadd.s32 s4, s19  }
0x9c: {  	s7 =	simm.s32 $0x0;
	s20 =	sshll.u32 s5, $0x1;
	s5 =	sadd.s32 s21, s3  }
0x9d: {  	[timem:s7], [sflag:s22] =	dma.local [hbm:s5], s20  }
0x9e: {  	_ =	swait.ge [sflag:s22], s20  }
0x9f: {  	s4 =	ssub.s32 $0x0, s20;
	[sflag:s22] =	ssyncset.done $0x0  }
0xa0: {  	[sflag:s22] =	ssyncadd.s32 s4;
	_ =	sdelay $0x1  }
0xa1: {  	s23 =	simm.s32 $0x1B8B  }
0xa2: {  	_ =	swait.ge [sflag:s23], $0x1  }
0xa3: {  	[sflag:s23] =	ssyncset.done $0x0  }
0xa4: {  	s25 =	simm.s32 $0x1B8E;
	s24 =	sld [smem:$0x3FFE];
	[sflag:s23] =	ssyncadd.s32 $0xFFFFFFFF  }
0xa5: {  	s26 =	simm.s32 $execute0_lowered;
	[smem:$0x3FD2] =	sst s25  }
0xa6: {  	s5 =	sshll.u32 s26, $0x1;
	_ =	strace $0x80000049;
	[dreg:$0x1] =	wrdreg $0xFFFFFFFF  }
0xa7: {  	s28 =	simm.s32 $_size_execute0_lowered;
	s3 =	sadd.s32 s3, s5;
	[dreg:$0x0] =	wrdreg $0x0  }
0xa8: {  	s5 =	sshll.u32 s28, $0x1;
	[dreg:$0x2] =	wrdreg s3  }
0xa9: {  	[dreg:$0x3] =	wrdreg s5  }
0xaa: {  	[dreg:$0x4] =	wrdreg $0xC0  }
0xab: {  	_ =	task [dreg:s7], $0x5FFFF  }
0xac: {  	[dreg:$0x1] =	wrdreg $0xFFFFFFFF  }
0xad: {  	[dreg:$0x0] =	wrdreg $0x60  }
0xae: {  	[dreg:$0x2] =	wrdreg s2  }
0xaf: {  	[dreg:$0x3] =	wrdreg s24  }
0xb0: {  	[dreg:$0x4] =	wrdreg $0x90000  }
0xb1: {  	[dreg:$0x5] =	wrdreg $0x9  }
0xb2: {  	_ =	task.clear_ibuf [dreg:s7], $0x6FFFF;
	_ =	strace $0x90000049  }
0xb3: {  	s29 =	simm.s32 $0x9;
	_ =	strace $0x8000004B  }
0xb4: {  	_ =	swait.ge [sflag:s29], $0x1  }
0xb5: {  	[sflag:s29] =	ssyncadd.s32 $0xFFFFFFFF  }
0xb6: {  	_ =	strace $0x9000004B  }
0xb7: {  	_ =	sfence  }
0xb8: {  	s30 =	sld [smem:$0x0];
	_ =	sdelay $0x2  }
0xb9: {  	s31 =	sshll.u32 s1, $0xD;
	s1 =	sshrl.u32 s1, $0x2  }
0xba: {  	s3 =	sand.u32 $0x4000, s31;
	s1 =	sadd.s32 s1, s30  }
0xbb: {  	s0 =	sor.u32 s3, s0;
	s1 =	sshll.u32 s1, $0x11  }
0xbc: {  	s0 =	sor.u32 s1, s0  }
0xbd: {  	s0 =	sadd.s32 $0x8F2B, s0  }
0xbe: {  	[sflag:s0] =	ssyncadd.remote.s32 $0x1  }
0xbf: {  	_ =	sfence.sel $0xFFFF  }
0xc0: {  	[dreg:$0x0] =	wrdreg $0xFFFFFFFF;
	(pc) =	sbr.abs _section_cstart, $3  }
0xc1: {  	[dreg:$0x1] =	wrdreg $0xFFFFFFFF  }
0xc2: {  	_ =	task.clear_ibuf [dreg:s7], $0x2FFFF;
	_ =	strace $0x9FFFFFFF  }
0xc3: {  	(tm) =	ssettm $0x7FFFFFFF  }
tec
execute0_lowered:
.L_overlay_start_1:
0x0: {  	(tag) =	ssettag $0x1  }
0x1: {  	s1 =	srdreg.scid;
	s0 =	rddreg [dreg:$0x0]  }
0x2: {  	s5 =	rddreg [dreg:$0x1];
	s17 =	stileid.u32  }
0x3: {  	s2 =	rddreg [dreg:$0x2];
	s7 =	smul.u32 $0x500, s17  }
0x4: {  	s3 =	simm.s32 $0x0;
	s16 =	simm.s32 $0x1;
	s10 =	smul.u32 $0x4F000, s17  }
0x5: {  	s6 =	sand.u32 $0x1, s1;
	[smem:$0x7FF] =	sst s3;
	s12 =	smul.u32 $0x4E000, s17  }
0x6: {  	s13 =	sadd.s32 $0x61C00, s5;
	s26 =	sshll.u32 s17, $0x6;
	s14 =	smul.u32 $0x2700, s17  }
0x7: {  	s19 =	sadd.s32 $0x138000, s2;
	p0 =	sne.s32 s17, $0x0;
	s24 =	smul.u32 $0x27100, s6  }
0x8: {  	s1 =	sshll.u32 s6, $0x4;
	s9 =	ssub.s32 $0x2, s6;
	s28 =	smul.u32 $0x138800, s6  }
0x9: {  	s4 =	sor.u32 s17, s1;
	s1 =	rddreg [dreg:$0x3];
	_ =	strace $0x8000004A  }
0xa: {  	s7 =	sadd.s32 s7, s5;
	s11 =	sshrl.u32 s9, $0x1;
	s25 =	sshrl.u32 s10, $0x2  }
0xb: {  	s29 =	sshrl.u32 s12, $0x2;
	s12 =	simm.s32 $0x2;
	s4 =	smul.u32 $0x500, s4  }
0xc: {  	s11 =	ssub.s32 s9, s11;
	s15 =	sadd.s32 s25, s2;
	s7 =	sadd.s32 $0x2200, s7  }
0xd: {  	s18 =	sadd.s32 s29, s2;
	s30 =	sadd.s32 s14, s24;
	s31 =	sshrl.u32 s28, $0x3  }
0xe: {  	s14 =	simm.s32 $0x80;
	s9 =	sadd.s32 s13, s31;
	s10 =	smax.u32 s11, $0x1  }
0xf: {  	s11 =	sshrl.u32 s15, $0x3;
	s15 =	simm.s32 $0x5000;
	s17 =	sshrl.u32 s18, $0x3  }
0x10: {  	s18 =	sshrl.u32 @!p0 s19, $0x3;
	s19 =	simm.s32 $0x0;
	s8 =	sadd.s32 s4, s5  }
0x11: {  	s4 =	sadd.s32 $0x7200, s5;
	s5 =	sor.u32 $0x1C02, s26;
	s9 =	sadd.s32 $0x27000, s9  }
0x12: {  	s6 =	sadd.s32 $0x57C00, s8;
	s8 =	sadd.s32 s13, s30;
	s13 =	simm.s32 $0x2800  }
.LBB2_1:
0x13: {  	[spmem:s11], [sflag:s5] =	dma.local [hbm:s4], $0x2780  }
0x14: {  	_ =	swait.ge [sflag:s12], $0x2780  }
0x15: {  	[sflag:s12] =	ssyncset.done $0x0  }
0x16: {  	[sflag:s12] =	ssyncadd.s32 $0xFFFFD880  }
0x17: {  	[tilespmem:s3], [sflag:$0x2] =	stream.linear.gather [hbm4b:s6+s3], $0x2780, $0x38;
	[tilespmem:$0x1CC00] =	vst v63  }
0x18: {  	_ =	swait.ge [sflag:s12], $0x2780  }
0x19: {  	[sflag:s12] =	ssyncset.done $0x0  }
0x1a: {  	[sflag:s12] =	ssyncadd.s32 $0xFFFFD880  }
0x1b: {  	[tilespmem:s13], [sflag:$0x2] =	stream.linear.gather [hbm4b:s7+s3], $0x2780, $0x38;
	[tilespmem:$0x1CC00] =	vst v63  }
0x1c: {  	_ =	swait.ge [sflag:s12], $0x2780  }
0x1d: {  	[sflag:s12] =	ssyncset.done $0x0  }
0x1e: {  	[sflag:s12] =	ssyncadd.s32 $0xFFFFD880  }
0x1f: {  	s20 =	simm.s32 $0x0;
	[bflag:$0x0] =	sbarrier.arrive $0xFFFF  }
0x20: {  	[tilespmem:s15], [sflag:$0x1] =	stream.indirect.gather [hbm4b:s0+s14], $0x80, s20, s14, $0xb8;
	[tilespmem:$0x1CC00] =	vst v63  }
0x21: {  	_ =	swait.ge [sflag:s16], $0x4000  }
0x22: {  	[sflag:s16] =	ssyncset.done $0x0  }
0x23: {  	s31 =	simm.s32 $0x2800;
	[sflag:s16] =	ssyncadd.s32 $0xFFFFC000  }
0x24: {  	[spmem:s2] =	stream.indirect.scatter.add.f32 [tilespmem:s15], [sflag:$0x2], $0x80, s31, s14, $0xb8;
	[tilespmem:$0x1CC00] =	vst v63  }
0x25: {  	_ =	swait.ge [sflag:s12], $0x4000  }
0x26: {  	s21 =	simm.s32 $0x400;
	s20 =	simm.s32 $0x200;
	[sflag:s12] =	ssyncset.done $0x0  }
.LBB2_2:
0x27: {  	s22 =	sshra.s32 s20, $0x2  }
0x28: {  	[sflag:s12] =	ssyncadd.s32 $0xFFFFC000;
	s20 =	smov.u32 s21;
	s23 =	sadd.s32 $0x200, s21  }
0x29: {  	[tilespmem:s15], [sflag:$0x1] =	stream.indirect.gather [hbm4b:s0+s14], $0x80, s22, s14, $0xb8;
	[tilespmem:$0x1CC00] =	vst v63  }
0x2a: {  	p1 =	sne.s32 s21, $0x9C00;
	_ =	swait.ge [sflag:s16], $0x4000  }
.Ltmp0:
0x2b: {  	[sflag:s16] =	ssyncset.done $0x0;
	(pc) =	sbr.rel @p1 .LBB2_2-.Ltmp0, $4  }
0x2c: {  	s21 =	sadd.s32 $0x2800, s22;
	[sflag:s16] =	ssyncadd.s32 $0xFFFFC000  }
0x2d: {  	[spmem:s2] =	stream.indirect.scatter.add.f32 [tilespmem:s15], [sflag:$0x2], $0x80, s21, s14, $0xb8;
	[tilespmem:$0x1CC00] =	vst v63  }
0x2e: {  	_ =	swait.ge [sflag:s12], $0x4000  }
0x2f: {  	s21 =	smov.u32 s23;
	[sflag:s12] =	ssyncset.done $0x0  }
0x30: {  	s20 =	sshra.s32 s20, $0x2;
	[sflag:s12] =	ssyncadd.s32 $0xFFFFC000  }
0x31: {  	[tilespmem:s15], [sflag:$0x1] =	stream.indirect.gather [hbm4b:s0+s14], $0x80, s20, s14, $0xb8;
	[tilespmem:$0x1CC00] =	vst v63  }
0x32: {  	_ =	swait.ge [sflag:s16], $0x4000  }
0x33: {  	[sflag:s16] =	ssyncset.done $0x0  }
0x34: {  	s20 =	sadd.s32 $0x2800, s20;
	[sflag:s16] =	ssyncadd.s32 $0xFFFFC000  }
0x35: {  	[spmem:s2] =	stream.indirect.scatter.add.f32 [tilespmem:s15], [sflag:$0x2], $0x80, s20, s14, $0xb8;
	[tilespmem:$0x1CC00] =	vst v63  }
0x36: {  	_ =	swait.ge [sflag:s12], $0x4000  }
0x37: {  	[sflag:s12] =	ssyncset.done $0x0  }
0x38: {  	[sflag:s12] =	ssyncadd.s32 $0xFFFFC000  }
0x39: {  	[bflag:$0x0] =	sbarrier.arrive $0xFFFF  }
0x3a: {  	[hbm:s8], [sflag:s5] =	dma.local [spmem:s17], $0x2700  }
0x3b: {  	s19 =	sadd.s32 $0x1, s19;
	_ =	swait.ge [sflag:s12], $0x2700  }
0x3c: {  	p1 =	sne.s32 s19, s10;
	[sflag:s12] =	ssyncset.done $0x0  }
.Ltmp1:
0x3d: {  	s20 =	simm.s32 @!p0 $0x2;
	[sflag:s12] =	ssyncadd.s32 $0xFFFFD900;
	(pc) =	sbr.rel @p1 .LBB2_1-.Ltmp1, $4  }
0x3e: {  	[hbm:s9], [sflag:s5] =	dma.local @!p0 [spmem:s18], $0x100  }
0x3f: {  	_ =	swait.ge @!p0 [sflag:s20], $0x100  }
0x40: {  	[sflag:s20] =	ssyncset.done @!p0 $0x0  }
0x41: {  	[sflag:s20] =	ssyncadd.s32 @!p0 $0xFFFFFF00  }
0x42: {  	_ =	sfence.sel $0x180000  }
0x43: {  	[bflag:$0x0] =	sbarrier.arrive $0xFFFF  }
0x44: {  	_ =	strace $0x9000004A  }
0x45: {  	s0 =	sadd.s32 @!p0 $0x100000, s1;
	[bflag:$0x2] =	sbarrier.arrive $0xFFFF  }
0x46: {  	[sflag:s0] =	ssyncadd.tile.s32 @!p0 $0x1;
	_ =	shalt  }
.Lfunc_end2:
_tile_overlayer_lowered:
.L_overlay_start_2:
0x47: {  	(tag) =	ssettag $0x2  }
0x48: {  	s0 =	rddreg [dreg:$0x0];
	s2 =	stileid.u32  }
0x49: {  	s1 =	rddreg [dreg:$0x1];
	p0 =	sne.s32 s2, $0x0  }
0x4a: {  	s3 =	rddreg [dreg:$0x2];
	[bflag:$0x3] =	sbarrier.arrive $0xFFFF;
	s2 =	simm.s32 @!p0 $0x1C02  }
0x4b: {  	[timem:s3], [sflag:s2] =	dma.local @!p0 [hbm:s0], s1  }
0x4c: {  	s0 =	simm.s32 @!p0 $0x2  }
0x4d: {  	_ =	swait.ge @!p0 [sflag:s0], s1  }
0x4e: {  	s1 =	ssub.s32 @!p0 $0x0, s1;
	[sflag:s0] =	ssyncset.done @!p0 $0x0  }
0x4f: {  	[sflag:s0] =	ssyncadd.s32 @!p0 s1  }
0x50: {  	[bflag:$0x3] =	sbarrier.arrive $0xFFFF  }
0x51: {  	_ =	shalt  }

// kernel: kernel.15.cloned.1.call-start
scs
__scs_entry_jumppad:
0x0: {  	(pc) =	sbr.rel $0x88, $3  }
0x1: {  	(tag) =	ssettag $0x0;
	lr =	simm.s32 $0x1  }
0x2: {  	[smem:$0x3F9B] =	sst lr;
	_ =	strace $0xD0000000  }
0x3: {  	_ = 	snop  }
0x4: {  	_ = 	snop  }
0x5: {  	_ = 	snop  }
0x6: {  	_ = 	snop  }
0x7: {  	_ = 	snop  }
__scs_overlays_trampoline_lowered:
0x8: {  	[smem:$0x3FAA] =	sst s0  }
0x9: {  	[smem:$0x3FAB] =	sst s1  }
0xa: {  	[smem:$0x3FAC] =	sst s2  }
0xb: {  	[smem:$0x3FAD] =	sst s3  }
0xc: {  	[smem:$0x3FAE] =	sst s4  }
0xd: {  	[smem:$0x3FAF] =	sst s5  }
0xe: {  	[smem:$0x3FB0] =	sst s6  }
0xf: {  	[smem:$0x3FB1] =	sst s7  }
0x10: {  	[smem:$0x3FB2] =	sst s8  }
0x11: {  	[smem:$0x3FB3] =	sst s9;
	s0 =	simm.s32 @!p0 $0x0  }
0x12: {  	s1 =	sld [smem:$0x3F99];
	s0 =	simm.s32 @p0 $0x1  }
0x13: {  	[smem:$0x3FB4] =	sst s0;
	s0 =	simm.s32 @!p1 $0x0  }
0x14: {  	s2 =	sld [smem:$0x3F98];
	s0 =	simm.s32 @p1 $0x1  }
0x15: {  	[smem:$0x3FB5] =	sst s0;
	s0 =	simm.s32 @!p2 $0x0  }
0x16: {  	s3 =	sld [smem:$0x3FDB];
	s0 =	simm.s32 @p2 $0x1  }
0x17: {  	s4 =	simm.s32 $0x1BF5;
	[smem:$0x3FB7] =	sst s0  }
0x18: {  	s0 =	sld [smem:$0x3F9A];
	_ =	swait.ge [sflag:s4], $0x0  }
0x19: {  	s7 =	sld [smem:$0x3F9B]  }
0x1a: {  	s8 =	sadd.s32 $0xFFFFE003, lr  }
0x1b: {  	s9 =	sadd.s32 $0xFFFFFEF7, lr;
	s5 =	simm.s32 $0xFFFFFFFF;
	p2 =	slt.u32 s8, $0xFFFFF086  }
0x1c: {  	p1 =	slt.u32 s9, $0xF7A;
	s5 =	simm.s32 @!p2 $0x0  }
0x1d: {  	s5 =	simm.s32 @p1 $0x1;
	p0 =	seq.s32 s7, s2  }
0x1e: {  	s7 =	smul.u32 @!p0 $0xF7A, s2;
	p2 =	seq.s32 @!p0 s5, $0x0  }
0x1f: {  	s9 =	smul.u32 $0xF7A, s1;
	s8 =	simm.s32 @!p0 $0x1BF5;
	p2 =	por !p2, p0  }
0x20: {  	[sflag:s8] =	ssyncset.s32 @!p0 $0xFFFFF086;
	s6 =	sadd.s32 @!p0 s3, s7;
	s7 =	simm.s32 @!p0 $0x108  }
0x21: {  	s3 =	sadd.s32 s3, s9;
	s6 =	sadd.s32 @!p0 $0x88, s6;
	s7 =	simm.s32 @p2 $0x1082  }
0x22: {  	[simem:s7], [sflag:s8] =	dma.local @!p0 [hbm:s6], $0xF7A  }
0x23: {  	s9 =	sor.u32 $0xD0000000, s2;
	s6 =	simm.s32 $0x108;
	_ =	swait.ge @!p0 [sflag:s8], $0x0  }
0x24: {  	s3 =	sadd.s32 $0x88, s3;
	s6 =	simm.s32 @!p1 $0x1082;
	[sflag:s4] =	ssyncset.s32 $0xFFFFF086  }
0x25: {  	[simem:s6], [sflag:s4] =	dma.local [hbm:s3], $0xF7A  }
0x26: {  	[smem:$0x3F9B] =	sst s1;
	(tag) =	ssettag s2;
	_ =	strace s9  }
0x27: {  	s1 =	sld [smem:$0x3FAB]  }
0x28: {  	s2 =	sld [smem:$0x3FAC]  }
0x29: {  	s4 =	sld [smem:$0x3FAE]  }
0x2a: {  	p0 =	seq.s32 s5, $0x0;
	s5 =	sld [smem:$0x3FAF]  }
0x2b: {  	s6 =	sld [smem:$0x3FB0]  }
0x2c: {  	s7 =	sld [smem:$0x3FB1]  }
0x2d: {  	s3 =	simm.s32 $0x108;
	s8 =	sld [smem:$0x3FB2]  }
0x2e: {  	s3 =	simm.s32 @!p0 $0x1082;
	s9 =	sld [smem:$0x3FB3]  }
0x2f: {  	lr =	sadd.s32 s0, s3;
	s0 =	sld [smem:$0x3FAA]  }
0x30: {  	s3 =	sld [smem:$0x3FAD]  }
0x31: {  	[smem:$0x3FB6] =	sst s10  }
0x32: {  	s10 =	sld [smem:$0x3FB4];
	_ =	sdelay $0x3  }
0x33: {  	p0 =	seq.s32 s10, $0x1;
	s10 =	sld [smem:$0x3FB6];
	_ =	sdelay $0x3  }
0x34: {  	[smem:$0x3FB6] =	sst s10  }
0x35: {  	s10 =	sld [smem:$0x3FB5];
	_ =	sdelay $0x3  }
0x36: {  	p1 =	seq.s32 s10, $0x1;
	s10 =	sld [smem:$0x3FB6];
	_ =	sdelay $0x3  }
0x37: {  	[smem:$0x3FB6] =	sst s10  }
0x38: {  	s10 =	sld [smem:$0x3FB7]  }
0x39: {  	_ = 	snop;
	(pc) =	sbr.ind lr, $3  }
0x3a: {  	_ = 	snop  }
0x3b: {  	_ = 	snop  }
0x3c: {  	p2 =	seq.s32 s10, $0x1;
	s10 =	sld [smem:$0x3FB6]  }
0x3d: {  	_ =	shalt  }
0x3e: {  	_ =	shalt  }
0x3f: {  	_ =	shalt  }
0x40: {  	_ =	shalt  }
0x41: {  	_ =	shalt  }
0x42: {  	_ =	shalt  }
0x43: {  	_ =	shalt  }
0x44: {  	_ =	shalt  }
0x45: {  	_ =	shalt  }
0x46: {  	_ =	shalt  }
0x47: {  	_ =	shalt  }
0x48: {  	_ =	shalt  }
0x49: {  	_ =	shalt  }
0x4a: {  	_ =	shalt  }
0x4b: {  	_ =	shalt  }
0x4c: {  	_ =	shalt  }
0x4d: {  	_ =	shalt  }
0x4e: {  	_ =	shalt  }
0x4f: {  	_ =	shalt  }
0x50: {  	_ =	shalt  }
0x51: {  	_ =	shalt  }
0x52: {  	_ =	shalt  }
0x53: {  	_ =	shalt  }
0x54: {  	_ =	shalt  }
0x55: {  	_ =	shalt  }
0x56: {  	_ =	shalt  }
0x57: {  	_ =	shalt  }
0x58: {  	_ =	shalt  }
0x59: {  	_ =	shalt  }
0x5a: {  	_ =	shalt  }
0x5b: {  	_ =	shalt  }
0x5c: {  	_ =	shalt  }
0x5d: {  	_ =	shalt  }
0x5e: {  	_ =	shalt  }
0x5f: {  	_ =	shalt  }
0x60: {  	_ =	shalt  }
0x61: {  	_ =	shalt  }
0x62: {  	_ =	shalt  }
0x63: {  	_ =	shalt  }
0x64: {  	_ =	shalt  }
0x65: {  	_ =	shalt  }
0x66: {  	_ =	shalt  }
0x67: {  	_ =	shalt  }
0x68: {  	_ =	shalt  }
0x69: {  	_ =	shalt  }
0x6a: {  	_ =	shalt  }
0x6b: {  	_ =	shalt  }
0x6c: {  	_ =	shalt  }
0x6d: {  	_ =	shalt  }
0x6e: {  	_ =	shalt  }
0x6f: {  	_ =	shalt  }
0x70: {  	_ =	shalt  }
0x71: {  	_ =	shalt  }
0x72: {  	_ =	shalt  }
0x73: {  	_ =	shalt  }
0x74: {  	_ =	shalt  }
0x75: {  	_ =	shalt  }
0x76: {  	_ =	shalt  }
0x77: {  	_ =	shalt  }
0x78: {  	_ =	shalt  }
0x79: {  	_ =	shalt  }
0x7a: {  	_ =	shalt  }
0x7b: {  	_ =	shalt  }
0x7c: {  	_ =	shalt  }
0x7d: {  	_ =	shalt  }
0x7e: {  	_ =	shalt  }
0x7f: {  	_ =	shalt  }
0x80: {  	_ =	shalt  }
0x81: {  	_ =	shalt  }
0x82: {  	_ =	shalt  }
0x83: {  	_ =	shalt  }
0x84: {  	_ =	shalt  }
0x85: {  	_ =	shalt  }
0x86: {  	_ =	shalt  }
0x87: {  	_ =	shalt  }
.Lfunc_end0:
.L_simem_size_0:
called_computation.2_lowered:
.L_overlay_start_0:
0x88: {  	s2 =	sld [smem:$0x3FD9]  }
0x89: {  	s3 =	sld [smem:$0x3FFE];
	_ =	sdelay $0x1  }
0x8a: {  	s1 =	srdreg.scid  }
0x8b: {  	s0 =	sand.u32 $0x1, s1  }
0x8c: {  	s17 =	sshll.u32 s0, $0xA;
	s2 =	sadd.s32 s3, s2  }
0x8d: {  	s2 =	sadd.s32 s2, s17  }
0x8e: {  	[smem:$0x3FC2] =	sst s2  }
0x8f: {  	_ = 	snop  }
0x90: {  	s2 =	sld [smem:$0x3FD0];
	(tm) =	ssettm $0x1  }
0x91: {  	s18 =	sld [smem:$0x3FFB];
	_ =	sdelay $0x3  }
0x92: {  	_ =	strace s18  }
0x93: {  	s3 =	sld [smem:$0x3FFC];
	_ =	sdelay $0x3  }
0x94: {  	_ =	strace s3  }
0x95: {  	s3 =	sld [smem:$0x3FFD];
	_ =	sdelay $0x3  }
0x96: {  	_ =	strace s3  }
0x97: {  	_ =	strace $0x8FFFFFFF  }
0x98: {  	s19 =	sld [smem:$0x3FDB];
	_ =	sdelay $0x1  }
0x99: {  	s4 =	simm.s32 $_scs_section_size  }
0x9a: {  	s5 =	simm.s32 $_size__tile_overlayer_lowered;
	s6 =	simm.s32 $_tile_overlayer_lowered  }
0x9b: {  	s22 =	simm.s32 $0x1BFF;
	s21 =	sshll.u32 s6, $0x1;
	s3 =	sadd.s32 s4, s19  }
0x9c: {  	s7 =	simm.s32 $0x0;
	s20 =	sshll.u32 s5, $0x1;
	s5 =	sadd.s32 s21, s3  }
0x9d: {  	[timem:s7], [sflag:s22] =	dma.local [hbm:s5], s20  }
0x9e: {  	_ =	swait.ge [sflag:s22], s20  }
0x9f: {  	s4 =	ssub.s32 $0x0, s20;
	[sflag:s22] =	ssyncset.done $0x0  }
0xa0: {  	[sflag:s22] =	ssyncadd.s32 s4;
	_ =	sdelay $0x1  }
0xa1: {  	s23 =	simm.s32 $0x1B8B  }
0xa2: {  	_ =	swait.ge [sflag:s23], $0x1  }
0xa3: {  	[sflag:s23] =	ssyncset.done $0x0  }
0xa4: {  	s25 =	simm.s32 $0x1B8E;
	s24 =	sld [smem:$0x3FFE];
	[sflag:s23] =	ssyncadd.s32 $0xFFFFFFFF  }
0xa5: {  	s26 =	simm.s32 $execute0_lowered;
	[smem:$0x3FD2] =	sst s25  }
0xa6: {  	s5 =	sshll.u32 s26, $0x1;
	_ =	strace $0x8000004C;
	[dreg:$0x1] =	wrdreg $0xFFFFFFFF  }
0xa7: {  	s28 =	simm.s32 $_size_execute0_lowered;
	s3 =	sadd.s32 s3, s5;
	[dreg:$0x0] =	wrdreg $0x0  }
0xa8: {  	s5 =	sshll.u32 s28, $0x1;
	[dreg:$0x2] =	wrdreg s3  }
0xa9: {  	[dreg:$0x3] =	wrdreg s5  }
0xaa: {  	[dreg:$0x4] =	wrdreg $0xC0  }
0xab: {  	_ =	task [dreg:s7], $0x5FFFF  }
0xac: {  	[dreg:$0x1] =	wrdreg $0xFFFFFFFF  }
0xad: {  	[dreg:$0x0] =	wrdreg $0x60  }
0xae: {  	[dreg:$0x2] =	wrdreg s2  }
0xaf: {  	[dreg:$0x3] =	wrdreg s24  }
0xb0: {  	[dreg:$0x4] =	wrdreg $0x90000  }
0xb1: {  	[dreg:$0x5] =	wrdreg $0x9  }
0xb2: {  	_ =	task.clear_ibuf [dreg:s7], $0x6FFFF;
	_ =	strace $0x9000004C  }
0xb3: {  	s29 =	simm.s32 $0x9;
	_ =	strace $0x8000004E  }
0xb4: {  	_ =	swait.ge [sflag:s29], $0x1  }
0xb5: {  	[sflag:s29] =	ssyncadd.s32 $0xFFFFFFFF  }
0xb6: {  	_ =	strace $0x9000004E  }
0xb7: {  	_ =	sfence  }
0xb8: {  	s30 =	sld [smem:$0x0];
	_ =	sdelay $0x2  }
0xb9: {  	s31 =	sshll.u32 s1, $0xD;
	s1 =	sshrl.u32 s1, $0x2  }
0xba: {  	s3 =	sand.u32 $0x4000, s31;
	s1 =	sadd.s32 s1, s30  }
0xbb: {  	s0 =	sor.u32 s3, s0;
	s1 =	sshll.u32 s1, $0x11  }
0xbc: {  	s0 =	sor.u32 s1, s0  }
0xbd: {  	s0 =	sadd.s32 $0x8F2B, s0  }
0xbe: {  	[sflag:s0] =	ssyncadd.remote.s32 $0x1  }
0xbf: {  	_ =	sfence.sel $0xFFFF  }
0xc0: {  	[dreg:$0x0] =	wrdreg $0xFFFFFFFF;
	(pc) =	sbr.abs _section_cstart, $3  }
0xc1: {  	[dreg:$0x1] =	wrdreg $0xFFFFFFFF  }
0xc2: {  	_ =	task.clear_ibuf [dreg:s7], $0x2FFFF;
	_ =	strace $0x9FFFFFFF  }
0xc3: {  	(tm) =	ssettm $0x7FFFFFFF  }
tec
execute0_lowered:
.L_overlay_start_1:
0x0: {  	(tag) =	ssettag $0x1  }
0x1: {  	s1 =	srdreg.scid;
	s0 =	rddreg [dreg:$0x0]  }
0x2: {  	s5 =	rddreg [dreg:$0x1];
	s17 =	stileid.u32  }
0x3: {  	s2 =	rddreg [dreg:$0x2];
	s7 =	smul.u32 $0x500, s17  }
0x4: {  	s3 =	simm.s32 $0x0;
	s16 =	simm.s32 $0x1;
	s10 =	smul.u32 $0x4F000, s17  }
0x5: {  	s6 =	sand.u32 $0x1, s1;
	[smem:$0x7FF] =	sst s3;
	s12 =	smul.u32 $0x4E000, s17  }
0x6: {  	s13 =	sadd.s32 $0x61C00, s5;
	s26 =	sshll.u32 s17, $0x6;
	s14 =	smul.u32 $0x2700, s17  }
0x7: {  	s19 =	sadd.s32 $0x138000, s2;
	p0 =	sne.s32 s17, $0x0;
	s24 =	smul.u32 $0x27100, s6  }
0x8: {  	s1 =	sshll.u32 s6, $0x4;
	s9 =	ssub.s32 $0x2, s6;
	s28 =	smul.u32 $0x138800, s6  }
0x9: {  	s4 =	sor.u32 s17, s1;
	s1 =	rddreg [dreg:$0x3];
	_ =	strace $0x8000004D  }
0xa: {  	s7 =	sadd.s32 s7, s5;
	s11 =	sshrl.u32 s9, $0x1;
	s25 =	sshrl.u32 s10, $0x2  }
0xb: {  	s29 =	sshrl.u32 s12, $0x2;
	s12 =	simm.s32 $0x2;
	s4 =	smul.u32 $0x500, s4  }
0xc: {  	s11 =	ssub.s32 s9, s11;
	s15 =	sadd.s32 s25, s2;
	s7 =	sadd.s32 $0x2200, s7  }
0xd: {  	s18 =	sadd.s32 s29, s2;
	s30 =	sadd.s32 s14, s24;
	s31 =	sshrl.u32 s28, $0x3  }
0xe: {  	s14 =	simm.s32 $0x80;
	s9 =	sadd.s32 s13, s31;
	s10 =	smax.u32 s11, $0x1  }
0xf: {  	s11 =	sshrl.u32 s15, $0x3;
	s15 =	simm.s32 $0x5000;
	s17 =	sshrl.u32 s18, $0x3  }
0x10: {  	s18 =	sshrl.u32 @!p0 s19, $0x3;
	s19 =	simm.s32 $0x0;
	s8 =	sadd.s32 s4, s5  }
0x11: {  	s4 =	sadd.s32 $0x7200, s5;
	s5 =	sor.u32 $0x1C02, s26;
	s9 =	sadd.s32 $0x27000, s9  }
0x12: {  	s6 =	sadd.s32 $0x57C00, s8;
	s8 =	sadd.s32 s13, s30;
	s13 =	simm.s32 $0x2800  }
.LBB2_1:
0x13: {  	[spmem:s11], [sflag:s5] =	dma.local [hbm:s4], $0x2780  }
0x14: {  	_ =	swait.ge [sflag:s12], $0x2780  }
0x15: {  	[sflag:s12] =	ssyncset.done $0x0  }
0x16: {  	[sflag:s12] =	ssyncadd.s32 $0xFFFFD880  }
0x17: {  	[tilespmem:s3], [sflag:$0x2] =	stream.linear.gather [hbm4b:s6+s3], $0x2780, $0x38;
	[tilespmem:$0x1CC00] =	vst v63  }
0x18: {  	_ =	swait.ge [sflag:s12], $0x2780  }
0x19: {  	[sflag:s12] =	ssyncset.done $0x0  }
0x1a: {  	[sflag:s12] =	ssyncadd.s32 $0xFFFFD880  }
0x1b: {  	[tilespmem:s13], [sflag:$0x2] =	stream.linear.gather [hbm4b:s7+s3], $0x2780, $0x38;
	[tilespmem:$0x1CC00] =	vst v63  }
0x1c: {  	_ =	swait.ge [sflag:s12], $0x2780  }
0x1d: {  	[sflag:s12] =	ssyncset.done $0x0  }
0x1e: {  	[sflag:s12] =	ssyncadd.s32 $0xFFFFD880  }
0x1f: {  	s20 =	simm.s32 $0x0;
	[bflag:$0x0] =	sbarrier.arrive $0xFFFF  }
0x20: {  	[tilespmem:s15], [sflag:$0x1] =	stream.indirect.gather [hbm4b:s0+s14], $0x80, s20, s14, $0xb8;
	[tilespmem:$0x1CC00] =	vst v63  }
0x21: {  	_ =	swait.ge [sflag:s16], $0x4000  }
0x22: {  	[sflag:s16] =	ssyncset.done $0x0  }
0x23: {  	s31 =	simm.s32 $0x2800;
	[sflag:s16] =	ssyncadd.s32 $0xFFFFC000  }
0x24: {  	[spmem:s2] =	stream.indirect.scatter.add.f32 [tilespmem:s15], [sflag:$0x2], $0x80, s31, s14, $0xb8;
	[tilespmem:$0x1CC00] =	vst v63  }
0x25: {  	_ =	swait.ge [sflag:s12], $0x4000  }
0x26: {  	s21 =	simm.s32 $0x400;
	s20 =	simm.s32 $0x200;
	[sflag:s12] =	ssyncset.done $0x0  }
.LBB2_2:
0x27: {  	s22 =	sshra.s32 s20, $0x2  }
0x28: {  	[sflag:s12] =	ssyncadd.s32 $0xFFFFC000;
	s20 =	smov.u32 s21;
	s23 =	sadd.s32 $0x200, s21  }
0x29: {  	[tilespmem:s15], [sflag:$0x1] =	stream.indirect.gather [hbm4b:s0+s14], $0x80, s22, s14, $0xb8;
	[tilespmem:$0x1CC00] =	vst v63  }
0x2a: {  	p1 =	sne.s32 s21, $0x9C00;
	_ =	swait.ge [sflag:s16], $0x4000  }
.Ltmp0:
0x2b: {  	[sflag:s16] =	ssyncset.done $0x0;
	(pc) =	sbr.rel @p1 .LBB2_2-.Ltmp0, $4  }
0x2c: {  	s21 =	sadd.s32 $0x2800, s22;
	[sflag:s16] =	ssyncadd.s32 $0xFFFFC000  }
0x2d: {  	[spmem:s2] =	stream.indirect.scatter.add.f32 [tilespmem:s15], [sflag:$0x2], $0x80, s21, s14, $0xb8;
	[tilespmem:$0x1CC00] =	vst v63  }
0x2e: {  	_ =	swait.ge [sflag:s12], $0x4000  }
0x2f: {  	s21 =	smov.u32 s23;
	[sflag:s12] =	ssyncset.done $0x0  }
0x30: {  	s20 =	sshra.s32 s20, $0x2;
	[sflag:s12] =	ssyncadd.s32 $0xFFFFC000  }
0x31: {  	[tilespmem:s15], [sflag:$0x1] =	stream.indirect.gather [hbm4b:s0+s14], $0x80, s20, s14, $0xb8;
	[tilespmem:$0x1CC00] =	vst v63  }
0x32: {  	_ =	swait.ge [sflag:s16], $0x4000  }
0x33: {  	[sflag:s16] =	ssyncset.done $0x0  }
0x34: {  	s20 =	sadd.s32 $0x2800, s20;
	[sflag:s16] =	ssyncadd.s32 $0xFFFFC000  }
0x35: {  	[spmem:s2] =	stream.indirect.scatter.add.f32 [tilespmem:s15], [sflag:$0x2], $0x80, s20, s14, $0xb8;
	[tilespmem:$0x1CC00] =	vst v63  }
0x36: {  	_ =	swait.ge [sflag:s12], $0x4000  }
0x37: {  	[sflag:s12] =	ssyncset.done $0x0  }
0x38: {  	[sflag:s12] =	ssyncadd.s32 $0xFFFFC000  }
0x39: {  	[bflag:$0x0] =	sbarrier.arrive $0xFFFF  }
0x3a: {  	[hbm:s8], [sflag:s5] =	dma.local [spmem:s17], $0x2700  }
0x3b: {  	s19 =	sadd.s32 $0x1, s19;
	_ =	swait.ge [sflag:s12], $0x2700  }
0x3c: {  	p1 =	sne.s32 s19, s10;
	[sflag:s12] =	ssyncset.done $0x0  }
.Ltmp1:
0x3d: {  	s20 =	simm.s32 @!p0 $0x2;
	[sflag:s12] =	ssyncadd.s32 $0xFFFFD900;
	(pc) =	sbr.rel @p1 .LBB2_1-.Ltmp1, $4  }
0x3e: {  	[hbm:s9], [sflag:s5] =	dma.local @!p0 [spmem:s18], $0x100  }
0x3f: {  	_ =	swait.ge @!p0 [sflag:s20], $0x100  }
0x40: {  	[sflag:s20] =	ssyncset.done @!p0 $0x0  }
0x41: {  	[sflag:s20] =	ssyncadd.s32 @!p0 $0xFFFFFF00  }
0x42: {  	_ =	sfence.sel $0x180000  }
0x43: {  	[bflag:$0x0] =	sbarrier.arrive $0xFFFF  }
0x44: {  	_ =	strace $0x9000004D  }
0x45: {  	s0 =	sadd.s32 @!p0 $0x100000, s1;
	[bflag:$0x2] =	sbarrier.arrive $0xFFFF  }
0x46: {  	[sflag:s0] =	ssyncadd.tile.s32 @!p0 $0x1;
	_ =	shalt  }
.Lfunc_end2:
_tile_overlayer_lowered:
.L_overlay_start_2:
0x47: {  	(tag) =	ssettag $0x2  }
0x48: {  	s0 =	rddreg [dreg:$0x0];
	s2 =	stileid.u32  }
0x49: {  	s1 =	rddreg [dreg:$0x1];
	p0 =	sne.s32 s2, $0x0  }
0x4a: {  	s3 =	rddreg [dreg:$0x2];
	[bflag:$0x3] =	sbarrier.arrive $0xFFFF;
	s2 =	simm.s32 @!p0 $0x1C02  }
0x4b: {  	[timem:s3], [sflag:s2] =	dma.local @!p0 [hbm:s0], s1  }
0x4c: {  	s0 =	simm.s32 @!p0 $0x2  }
0x4d: {  	_ =	swait.ge @!p0 [sflag:s0], s1  }
0x4e: {  	s1 =	ssub.s32 @!p0 $0x0, s1;
	[sflag:s0] =	ssyncset.done @!p0 $0x0  }
0x4f: {  	[sflag:s0] =	ssyncadd.s32 @!p0 s1  }
0x50: {  	[bflag:$0x3] =	sbarrier.arrive $0xFFFF  }
0x51: {  	_ =	shalt  }

// kernel: kernel.9.cloned.1.call-start
scs
__scs_entry_jumppad:
0x0: {  	(pc) =	sbr.rel $0x88, $3  }
0x1: {  	(tag) =	ssettag $0x0;
	lr =	simm.s32 $0x1  }
0x2: {  	[smem:$0x3F9B] =	sst lr;
	_ =	strace $0xD0000000  }
0x3: {  	_ = 	snop  }
0x4: {  	_ = 	snop  }
0x5: {  	_ = 	snop  }
0x6: {  	_ = 	snop  }
0x7: {  	_ = 	snop  }
__scs_overlays_trampoline_lowered:
0x8: {  	[smem:$0x3FAA] =	sst s0  }
0x9: {  	[smem:$0x3FAB] =	sst s1  }
0xa: {  	[smem:$0x3FAC] =	sst s2  }
0xb: {  	[smem:$0x3FAD] =	sst s3  }
0xc: {  	[smem:$0x3FAE] =	sst s4  }
0xd: {  	[smem:$0x3FAF] =	sst s5  }
0xe: {  	[smem:$0x3FB0] =	sst s6  }
0xf: {  	[smem:$0x3FB1] =	sst s7  }
0x10: {  	[smem:$0x3FB2] =	sst s8  }
0x11: {  	[smem:$0x3FB3] =	sst s9;
	s0 =	simm.s32 @!p0 $0x0  }
0x12: {  	s1 =	sld [smem:$0x3F99];
	s0 =	simm.s32 @p0 $0x1  }
0x13: {  	[smem:$0x3FB4] =	sst s0;
	s0 =	simm.s32 @!p1 $0x0  }
0x14: {  	s2 =	sld [smem:$0x3F98];
	s0 =	simm.s32 @p1 $0x1  }
0x15: {  	[smem:$0x3FB5] =	sst s0;
	s0 =	simm.s32 @!p2 $0x0  }
0x16: {  	s3 =	sld [smem:$0x3FDB];
	s0 =	simm.s32 @p2 $0x1  }
0x17: {  	s4 =	simm.s32 $0x1BF5;
	[smem:$0x3FB7] =	sst s0  }
0x18: {  	s0 =	sld [smem:$0x3F9A];
	_ =	swait.ge [sflag:s4], $0x0  }
0x19: {  	s7 =	sld [smem:$0x3F9B]  }
0x1a: {  	s8 =	sadd.s32 $0xFFFFE003, lr  }
0x1b: {  	s9 =	sadd.s32 $0xFFFFFEF7, lr;
	s5 =	simm.s32 $0xFFFFFFFF;
	p2 =	slt.u32 s8, $0xFFFFF086  }
0x1c: {  	p1 =	slt.u32 s9, $0xF7A;
	s5 =	simm.s32 @!p2 $0x0  }
0x1d: {  	s5 =	simm.s32 @p1 $0x1;
	p0 =	seq.s32 s7, s2  }
0x1e: {  	s7 =	smul.u32 @!p0 $0xF7A, s2;
	p2 =	seq.s32 @!p0 s5, $0x0  }
0x1f: {  	s9 =	smul.u32 $0xF7A, s1;
	s8 =	simm.s32 @!p0 $0x1BF5;
	p2 =	por !p2, p0  }
0x20: {  	[sflag:s8] =	ssyncset.s32 @!p0 $0xFFFFF086;
	s6 =	sadd.s32 @!p0 s3, s7;
	s7 =	simm.s32 @!p0 $0x108  }
0x21: {  	s3 =	sadd.s32 s3, s9;
	s6 =	sadd.s32 @!p0 $0x88, s6;
	s7 =	simm.s32 @p2 $0x1082  }
0x22: {  	[simem:s7], [sflag:s8] =	dma.local @!p0 [hbm:s6], $0xF7A  }
0x23: {  	s9 =	sor.u32 $0xD0000000, s2;
	s6 =	simm.s32 $0x108;
	_ =	swait.ge @!p0 [sflag:s8], $0x0  }
0x24: {  	s3 =	sadd.s32 $0x88, s3;
	s6 =	simm.s32 @!p1 $0x1082;
	[sflag:s4] =	ssyncset.s32 $0xFFFFF086  }
0x25: {  	[simem:s6], [sflag:s4] =	dma.local [hbm:s3], $0xF7A  }
0x26: {  	[smem:$0x3F9B] =	sst s1;
	(tag) =	ssettag s2;
	_ =	strace s9  }
0x27: {  	s1 =	sld [smem:$0x3FAB]  }
0x28: {  	s2 =	sld [smem:$0x3FAC]  }
0x29: {  	s4 =	sld [smem:$0x3FAE]  }
0x2a: {  	p0 =	seq.s32 s5, $0x0;
	s5 =	sld [smem:$0x3FAF]  }
0x2b: {  	s6 =	sld [smem:$0x3FB0]  }
0x2c: {  	s7 =	sld [smem:$0x3FB1]  }
0x2d: {  	s3 =	simm.s32 $0x108;
	s8 =	sld [smem:$0x3FB2]  }
0x2e: {  	s3 =	simm.s32 @!p0 $0x1082;
	s9 =	sld [smem:$0x3FB3]  }
0x2f: {  	lr =	sadd.s32 s0, s3;
	s0 =	sld [smem:$0x3FAA]  }
0x30: {  	s3 =	sld [smem:$0x3FAD]  }
0x31: {  	[smem:$0x3FB6] =	sst s10  }
0x32: {  	s10 =	sld [smem:$0x3FB4];
	_ =	sdelay $0x3  }
0x33: {  	p0 =	seq.s32 s10, $0x1;
	s10 =	sld [smem:$0x3FB6];
	_ =	sdelay $0x3  }
0x34: {  	[smem:$0x3FB6] =	sst s10  }
0x35: {  	s10 =	sld [smem:$0x3FB5];
	_ =	sdelay $0x3  }
0x36: {  	p1 =	seq.s32 s10, $0x1;
	s10 =	sld [smem:$0x3FB6];
	_ =	sdelay $0x3  }
0x37: {  	[smem:$0x3FB6] =	sst s10  }
0x38: {  	s10 =	sld [smem:$0x3FB7]  }
0x39: {  	_ = 	snop;
	(pc) =	sbr.ind lr, $3  }
0x3a: {  	_ = 	snop  }
0x3b: {  	_ = 	snop  }
0x3c: {  	p2 =	seq.s32 s10, $0x1;
	s10 =	sld [smem:$0x3FB6]  }
0x3d: {  	_ =	shalt  }
0x3e: {  	_ =	shalt  }
0x3f: {  	_ =	shalt  }
0x40: {  	_ =	shalt  }
0x41: {  	_ =	shalt  }
0x42: {  	_ =	shalt  }
0x43: {  	_ =	shalt  }
0x44: {  	_ =	shalt  }
0x45: {  	_ =	shalt  }
0x46: {  	_ =	shalt  }
0x47: {  	_ =	shalt  }
0x48: {  	_ =	shalt  }
0x49: {  	_ =	shalt  }
0x4a: {  	_ =	shalt  }
0x4b: {  	_ =	shalt  }
0x4c: {  	_ =	shalt  }
0x4d: {  	_ =	shalt  }
0x4e: {  	_ =	shalt  }
0x4f: {  	_ =	shalt  }
0x50: {  	_ =	shalt  }
0x51: {  	_ =	shalt  }
0x52: {  	_ =	shalt  }
0x53: {  	_ =	shalt  }
0x54: {  	_ =	shalt  }
0x55: {  	_ =	shalt  }
0x56: {  	_ =	shalt  }
0x57: {  	_ =	shalt  }
0x58: {  	_ =	shalt  }
0x59: {  	_ =	shalt  }
0x5a: {  	_ =	shalt  }
0x5b: {  	_ =	shalt  }
0x5c: {  	_ =	shalt  }
0x5d: {  	_ =	shalt  }
0x5e: {  	_ =	shalt  }
0x5f: {  	_ =	shalt  }
0x60: {  	_ =	shalt  }
0x61: {  	_ =	shalt  }
0x62: {  	_ =	shalt  }
0x63: {  	_ =	shalt  }
0x64: {  	_ =	shalt  }
0x65: {  	_ =	shalt  }
0x66: {  	_ =	shalt  }
0x67: {  	_ =	shalt  }
0x68: {  	_ =	shalt  }
0x69: {  	_ =	shalt  }
0x6a: {  	_ =	shalt  }
0x6b: {  	_ =	shalt  }
0x6c: {  	_ =	shalt  }
0x6d: {  	_ =	shalt  }
0x6e: {  	_ =	shalt  }
0x6f: {  	_ =	shalt  }
0x70: {  	_ =	shalt  }
0x71: {  	_ =	shalt  }
0x72: {  	_ =	shalt  }
0x73: {  	_ =	shalt  }
0x74: {  	_ =	shalt  }
0x75: {  	_ =	shalt  }
0x76: {  	_ =	shalt  }
0x77: {  	_ =	shalt  }
0x78: {  	_ =	shalt  }
0x79: {  	_ =	shalt  }
0x7a: {  	_ =	shalt  }
0x7b: {  	_ =	shalt  }
0x7c: {  	_ =	shalt  }
0x7d: {  	_ =	shalt  }
0x7e: {  	_ =	shalt  }
0x7f: {  	_ =	shalt  }
0x80: {  	_ =	shalt  }
0x81: {  	_ =	shalt  }
0x82: {  	_ =	shalt  }
0x83: {  	_ =	shalt  }
0x84: {  	_ =	shalt  }
0x85: {  	_ =	shalt  }
0x86: {  	_ =	shalt  }
0x87: {  	_ =	shalt  }
.Lfunc_end0:
.L_simem_size_0:
called_computation_lowered:
.L_overlay_start_0:
0x88: {  	s2 =	sld [smem:$0x3FD9]  }
0x89: {  	s3 =	sld [smem:$0x3FFE];
	_ =	sdelay $0x1  }
0x8a: {  	s1 =	srdreg.scid  }
0x8b: {  	s0 =	sand.u32 $0x1, s1  }
0x8c: {  	s17 =	sshll.u32 s0, $0xA;
	s2 =	sadd.s32 s3, s2  }
0x8d: {  	s2 =	sadd.s32 s2, s17  }
0x8e: {  	[smem:$0x3FC2] =	sst s2  }
0x8f: {  	_ = 	snop  }
0x90: {  	s2 =	sld [smem:$0x3FD0];
	(tm) =	ssettm $0x1  }
0x91: {  	s18 =	sld [smem:$0x3FFB];
	_ =	sdelay $0x3  }
0x92: {  	_ =	strace s18  }
0x93: {  	s3 =	sld [smem:$0x3FFC];
	_ =	sdelay $0x3  }
0x94: {  	_ =	strace s3  }
0x95: {  	s3 =	sld [smem:$0x3FFD];
	_ =	sdelay $0x3  }
0x96: {  	_ =	strace s3  }
0x97: {  	_ =	strace $0x8FFFFFFF  }
0x98: {  	s19 =	sld [smem:$0x3FDB];
	_ =	sdelay $0x1  }
0x99: {  	s4 =	simm.s32 $_scs_section_size  }
0x9a: {  	s5 =	simm.s32 $_size__tile_overlayer_lowered;
	s6 =	simm.s32 $_tile_overlayer_lowered  }
0x9b: {  	s22 =	simm.s32 $0x1BFF;
	s21 =	sshll.u32 s6, $0x1;
	s3 =	sadd.s32 s4, s19  }
0x9c: {  	s7 =	simm.s32 $0x0;
	s20 =	sshll.u32 s5, $0x1;
	s5 =	sadd.s32 s21, s3  }
0x9d: {  	[timem:s7], [sflag:s22] =	dma.local [hbm:s5], s20  }
0x9e: {  	_ =	swait.ge [sflag:s22], s20  }
0x9f: {  	s4 =	ssub.s32 $0x0, s20;
	[sflag:s22] =	ssyncset.done $0x0  }
0xa0: {  	[sflag:s22] =	ssyncadd.s32 s4;
	_ =	sdelay $0x1  }
0xa1: {  	s23 =	simm.s32 $0x1B8B  }
0xa2: {  	_ =	swait.ge [sflag:s23], $0x1  }
0xa3: {  	[sflag:s23] =	ssyncset.done $0x0  }
0xa4: {  	s25 =	simm.s32 $0x1B8E;
	s24 =	sld [smem:$0x3FFE];
	[sflag:s23] =	ssyncadd.s32 $0xFFFFFFFF  }
0xa5: {  	s26 =	simm.s32 $execute0_lowered;
	[smem:$0x3FD2] =	sst s25  }
0xa6: {  	s5 =	sshll.u32 s26, $0x1;
	_ =	strace $0x80000046;
	[dreg:$0x1] =	wrdreg $0xFFFFFFFF  }
0xa7: {  	s28 =	simm.s32 $_size_execute0_lowered;
	s3 =	sadd.s32 s3, s5;
	[dreg:$0x0] =	wrdreg $0x0  }
0xa8: {  	s5 =	sshll.u32 s28, $0x1;
	[dreg:$0x2] =	wrdreg s3  }
0xa9: {  	[dreg:$0x3] =	wrdreg s5  }
0xaa: {  	[dreg:$0x4] =	wrdreg $0xC0  }
0xab: {  	_ =	task [dreg:s7], $0x5FFFF  }
0xac: {  	[dreg:$0x1] =	wrdreg $0xFFFFFFFF  }
0xad: {  	[dreg:$0x0] =	wrdreg $0x60  }
0xae: {  	[dreg:$0x2] =	wrdreg s24  }
0xaf: {  	[dreg:$0x3] =	wrdreg s2  }
0xb0: {  	[dreg:$0x4] =	wrdreg $0x68000  }
0xb1: {  	[dreg:$0x5] =	wrdreg $0x9  }
0xb2: {  	_ =	task.clear_ibuf [dreg:s7], $0x6FFFF;
	_ =	strace $0x90000046  }
0xb3: {  	s29 =	simm.s32 $0x9;
	_ =	strace $0x80000048  }
0xb4: {  	_ =	swait.ge [sflag:s29], $0x1  }
0xb5: {  	[sflag:s29] =	ssyncadd.s32 $0xFFFFFFFF  }
0xb6: {  	_ =	strace $0x90000048  }
0xb7: {  	_ =	sfence  }
0xb8: {  	s30 =	sld [smem:$0x0];
	_ =	sdelay $0x2  }
0xb9: {  	s31 =	sshll.u32 s1, $0xD;
	s1 =	sshrl.u32 s1, $0x2  }
0xba: {  	s3 =	sand.u32 $0x4000, s31;
	s1 =	sadd.s32 s1, s30  }
0xbb: {  	s0 =	sor.u32 s3, s0;
	s1 =	sshll.u32 s1, $0x11  }
0xbc: {  	s0 =	sor.u32 s1, s0  }
0xbd: {  	s0 =	sadd.s32 $0x8F2B, s0  }
0xbe: {  	[sflag:s0] =	ssyncadd.remote.s32 $0x1  }
0xbf: {  	_ =	sfence.sel $0xFFFF  }
0xc0: {  	[dreg:$0x0] =	wrdreg $0xFFFFFFFF;
	(pc) =	sbr.abs _section_cstart, $3  }
0xc1: {  	[dreg:$0x1] =	wrdreg $0xFFFFFFFF  }
0xc2: {  	_ =	task.clear_ibuf [dreg:s7], $0x2FFFF;
	_ =	strace $0x9FFFFFFF  }
0xc3: {  	(tm) =	ssettm $0x7FFFFFFF  }
tec
execute0_lowered:
.L_overlay_start_1:
0x0: {  	(tag) =	ssettag $0x1  }
0x1: {  	s16 =	stileid.u32  }
0x2: {  	s5 =	rddreg [dreg:$0x0];
	s4 =	smul.u32 $0x500, s16  }
0x3: {  	s1 =	rddreg [dreg:$0x1];
	s22 =	smul.u32 $0x4F000, s16  }
0x4: {  	s6 =	srdreg.scid;
	s23 =	smul.u32 $0x4E000, s16  }
0x5: {  	s2 =	rddreg [dreg:$0x2];
	s10 =	sand.u32 $0x1, s6;
	s28 =	smul.u32 $0x2700, s16  }
0x6: {  	s0 =	rddreg [dreg:$0x3];
	s3 =	simm.s32 $0x0;
	s12 =	smul.u32 $0x28, s10  }
0x7: {  	[smem:$0x7FF] =	sst s3;
	s13 =	sadd.s32 $0x9A00, s5;
	s11 =	smul.u32 $0x27, s10  }
0x8: {  	s25 =	sshll.u32 s16, $0x6;
	p0 =	sne.s32 s16, $0x0;
	s14 =	smul.u32 $0x27100, s10  }
0x9: {  	_ =	strace $0x80000047;
	s8 =	ssub.s32 $0x2, s10;
	s17 =	smul.u32 $0x138800, s10  }
0xa: {  	s31 =	smul.u32 $0x5000, s10;
	s10 =	ssub.s32 $0x28, s10;
	s7 =	sadd.s32 s4, s5  }
0xb: {  	s4 =	sadd.s32 $0x7200, s5;
	s9 =	sshrl.u32 s8, $0x1;
	s24 =	sshrl.u32 s22, $0x2  }
0xc: {  	s5 =	sor.u32 $0x1C01, s25;
	s26 =	sshrl.u32 s23, $0x2;
	s9 =	ssub.s32 s8, s9  }
0xd: {  	s15 =	sadd.s32 s24, s2;
	s6 =	sadd.s32 $0x2200, s7;
	s18 =	sadd.s32 $0x28, s11  }
0xe: {  	s19 =	sadd.s32 s26, s2;
	s29 =	sshrl.u32 s17, $0x3;
	s8 =	sadd.s32 s28, s14  }
.Ltmp0:
0xf: {  	s17 =	sadd.s32 $0x138000, s2;
	s11 =	sshrl.u32 s31, $0x2;
	(pc) =	sbr.rel .LBB2_1-.Ltmp0, $4  }
0x10: {  	s14 =	simm.s32 $0x2800;
	s30 =	sadd.s32 s13, s29;
	s7 =	sadd.s32 s13, s8  }
0x11: {  	s9 =	smax.u32 s9, $0x1;
	p1 =	sge.u32 s12, s18;
	s12 =	sshrl.u32 s15, $0x3  }
0x12: {  	s13 =	simm.s32 $0x1;
	s15 =	simm.s32 $0x80;
	s16 =	sshrl.u32 s19, $0x3  }
0x13: {  	s17 =	sshrl.u32 @!p0 s17, $0x3;
	s18 =	simm.s32 $0x0;
	s8 =	sadd.s32 $0x27000, s30  }
.LBB2_4:
0x14: {  	[sflag:s13] =	ssyncadd.s32 $0xFFFFC000  }
.LBB2_5:
0x15: {  	[bflag:$0x0] =	sbarrier.arrive $0xFFFF  }
0x16: {  	[hbm:s7], [sflag:s5] =	dma.local [spmem:s16], $0x2700  }
0x17: {  	s18 =	sadd.s32 $0x1, s18;
	_ =	swait.ge [sflag:s13], $0x2700  }
0x18: {  	p2 =	sne.s32 s18, s9;
	[sflag:s13] =	ssyncset.done $0x0  }
.Ltmp1:
0x19: {  	s19 =	simm.s32 @!p0 $0x1;
	[sflag:s13] =	ssyncadd.s32 $0xFFFFD900;
	(pc) =	sbr.rel @!p2 .LBB2_6-.Ltmp1, $4  }
0x1a: {  	[hbm:s8], [sflag:s5] =	dma.local @!p0 [spmem:s17], $0x100  }
0x1b: {  	_ =	swait.ge @!p0 [sflag:s19], $0x100  }
0x1c: {  	[sflag:s19] =	ssyncset.done @!p0 $0x0  }
0x1d: {  	[sflag:s19] =	ssyncadd.s32 @!p0 $0xFFFFFF00  }
.LBB2_1:
0x1e: {  	[spmem:s12], [sflag:s5] =	dma.local [hbm:s4], $0x2780  }
0x1f: {  	_ =	swait.ge [sflag:s13], $0x2780  }
0x20: {  	[sflag:s13] =	ssyncset.done $0x0  }
0x21: {  	[sflag:s13] =	ssyncadd.s32 $0xFFFFD880  }
0x22: {  	[tilespmem:s3], [sflag:$0x1] =	stream.linear.gather [hbm4b:s6+s3], $0x2780, $0x38;
	[tilespmem:$0x1A400] =	vst v63  }
0x23: {  	_ =	swait.ge [sflag:s13], $0x2780  }
0x24: {  	[sflag:s13] =	ssyncset.done $0x0  }
0x25: {  	[sflag:s13] =	ssyncadd.s32 $0xFFFFD880  }
0x26: {  	[tilespmem:s14], [sflag:$0x1] =	stream.linear.gather [hbm4b:s1+s3], $0x4000, $0x38;
	[tilespmem:$0x1A400] =	vst v63  }
.Ltmp2:
0x27: {  	_ =	swait.ge [sflag:s13], $0x4000;
	(pc) =	sbr.rel @p1 .LBB2_5-.Ltmp2, $3  }
0x28: {  	[sflag:s13] =	ssyncset.done $0x0  }
0x29: {  	[sflag:s13] =	ssyncadd.s32 $0xFFFFC000  }
0x2a: {  	[bflag:$0x0] =	sbarrier.arrive $0xFFFF;
	_ =	sdelay $0x1  }
0x2b: {  	p2 =	sne.s32 s10, $0x1  }
.Ltmp3:
0x2c: {  	_ = 	snop;
	(pc) =	sbr.rel @!p2 .LBB2_4-.Ltmp3, $4  }
0x2d: {  	_ = 	snop  }
0x2e: {  	[spmem:s2] =	stream.indirect.scatter.add.f32 [tilespmem:s14], [sflag:$0x1], $0x80, s11, s15, $0xb8;
	[tilespmem:$0x1A400] =	vst v63  }
0x2f: {  	_ =	swait.ge [sflag:s13], $0x4000  }
0x30: {  	s19 =	sadd.s32 $0xFFFFFFFF, s10;
	s20 =	smov.u32 s11;
	[sflag:s13] =	ssyncset.done $0x0  }
.LBB2_3:
0x31: {  	p2 =	sne.s32 s19, $0x1;
	[sflag:s13] =	ssyncadd.s32 $0xFFFFC000;
	s20 =	sadd.s32 $0x80, s20  }
.Ltmp4:
0x32: {  	s19 =	sadd.s32 $0xFFFFFFFF, s19;
	(pc) =	sbr.rel @p2 .LBB2_3-.Ltmp4, $4  }
0x33: {  	_ = 	snop  }
0x34: {  	[spmem:s2] =	stream.indirect.scatter.add.f32 [tilespmem:s14], [sflag:$0x1], $0x80, s20, s15, $0xb8;
	[tilespmem:$0x1A400] =	vst v63  }
0x35: {  	_ =	swait.ge [sflag:s13], $0x4000  }
0x36: {  	[sflag:s13] =	ssyncset.done $0x0  }
.Ltmp5:
0x37: {  	_ = 	snop;
	(pc) =	sbr.rel .LBB2_4-.Ltmp5, $1  }
0x38: {  	_ =	sdelay $0x3  }
.LBB2_6:
0x39: {  	_ =	sfence.sel $0x180000  }
0x3a: {  	[bflag:$0x0] =	sbarrier.arrive $0xFFFF  }
0x3b: {  	_ =	strace $0x90000047  }
0x3c: {  	s0 =	sadd.s32 @!p0 $0x100000, s0;
	[bflag:$0x2] =	sbarrier.arrive $0xFFFF  }
0x3d: {  	[sflag:s0] =	ssyncadd.tile.s32 @!p0 $0x1;
	_ =	shalt  }
.Lfunc_end2:
_tile_overlayer_lowered:
.L_overlay_start_2:
0x3e: {  	(tag) =	ssettag $0x2  }
0x3f: {  	s0 =	rddreg [dreg:$0x0];
	s2 =	stileid.u32  }
0x40: {  	s1 =	rddreg [dreg:$0x1];
	p0 =	sne.s32 s2, $0x0  }
0x41: {  	s3 =	rddreg [dreg:$0x2];
	[bflag:$0x3] =	sbarrier.arrive $0xFFFF;
	s2 =	simm.s32 @!p0 $0x1C01  }
0x42: {  	[timem:s3], [sflag:s2] =	dma.local @!p0 [hbm:s0], s1  }
0x43: {  	s0 =	simm.s32 @!p0 $0x1  }
0x44: {  	_ =	swait.ge @!p0 [sflag:s0], s1  }
0x45: {  	s1 =	ssub.s32 @!p0 $0x0, s1;
	[sflag:s0] =	ssyncset.done @!p0 $0x0  }
0x46: {  	[sflag:s0] =	ssyncadd.s32 @!p0 s1  }
0x47: {  	[bflag:$0x3] =	sbarrier.arrive $0xFFFF  }
0x48: {  	_ =	shalt  }

</sc_bundles>
